<compile_context>
chip_gen: v7x
topology: tpu7x:2x2x1
jax: 0.10.2.dev20260603
libtpu: 0.0.44.dev20260713+nightly
codegen_flags: <defaults>
</compile_context>

<pallas_src>
import functools

import jax
import jax.numpy as jnp
from jax import lax
from jax.experimental import pallas as pl
from jax.experimental.pallas import tpu as pltpu
from jax.experimental.pallas import tpu_sc as plsc

N_NODES = 10000
N_EDGES = 320000
D = 128

NC = 2
NS = 16
NW = NC * NS

SEG_PER_W = 320
N_SEG_PAD = NW * SEG_PER_W
PTR_SLICE = 344
PTR_PAD = (NW - 1) * SEG_PER_W + PTR_SLICE
CH = 224
NBUF = 3
NLANES = D // 16
LAST_W = N_NODES - (NW - 1) * SEG_PER_W


def _seg_max_sc(x_mod_flat, ptr32):
    mesh = plsc.VectorSubcoreMesh(
        core_axis_name="c", subcore_axis_name="s", num_cores=NC, num_subcores=NS
    )

    @functools.partial(
        pl.kernel,
        out_type=[
            jax.ShapeDtypeStruct((N_NODES * D,), jnp.float32),
            jax.ShapeDtypeStruct((N_NODES,), jnp.int32),
        ],
        mesh=mesh,
        scratch_types=[
            pltpu.VMEM((PTR_SLICE,), jnp.int32),
            pltpu.VMEM((SEG_PER_W * D,), jnp.float32),
            pltpu.VMEM((SEG_PER_W,), jnp.int32),
            pltpu.VMEM((NBUF * CH * D,), jnp.float32),
            pltpu.SemaphoreType.DMA,
            pltpu.SemaphoreType.DMA,
            pltpu.SemaphoreType.DMA,
        ],
    )
    def seg_max(x_mod_hbm, ptr_hbm, pool_hbm, seen_hbm,
                ptr_v, acc_v, seen_v, buf_v, sem0, sem1, sem2):
        sems = [sem0, sem1, sem2]
        wid = lax.axis_index("s") * NC + lax.axis_index("c")
        s0 = wid * SEG_PER_W

        pltpu.sync_copy(ptr_hbm.at[pl.ds(s0, PTR_SLICE)], ptr_v)

        def ptr_at(i):
            return ptr_v[pl.ds(i, 16)][0]

        e_lo = ptr_at(0)
        e_hi = ptr_at(SEG_PER_W)

        base = (e_lo // 8) * 8
        nchunks = jnp.where(
            e_hi > e_lo, lax.div(e_hi - base + (CH - 1), CH), 0
        )

        def chunk_start(c):
            st = jnp.minimum(base + c * CH, N_EDGES - CH)
            return pl.multiple_of(st, 8)

        def start_dma(c, b, sem):
            pltpu.make_async_copy(
                x_mod_hbm.at[pl.ds(chunk_start(c) * D, CH * D)],
                buf_v.at[pl.ds(b * CH * D, CH * D)],
                sem,
            ).start()

        def wait_dma(b, sem):
            pltpu.make_async_copy(
                x_mod_hbm.at[pl.ds(0, CH * D)],
                buf_v.at[pl.ds(b * CH * D, CH * D)],
                sem,
            ).wait()

        @pl.when(nchunks > 0)
        def _():
            start_dma(0, 0, sem0)

        @pl.when(nchunks > 1)
        def _():
            start_dma(1, 1, sem1)

        zeros16 = jnp.zeros((16,), jnp.float32)

        def zrow(r, _):
            for j in range(NLANES):
                acc_v[pl.ds(r * D + 16 * j, 16)] = zeros16
            return 0

        lax.fori_loop(0, SEG_PER_W, zrow, 0)

        for k in range(SEG_PER_W // 16):
            a = ptr_v[pl.ds(16 * k, 16)]
            b = ptr_v[pl.ds(16 * k + 1, 16)]
            seen_v[pl.ds(16 * k, 16)] = jnp.where(b > a, 1, 0).astype(jnp.int32)

        minus_inf = jnp.full((16,), -jnp.inf, jnp.float32)

        def seg_body(s, ops):
            res, start = ops
            end = ptr_at(s + 1)

            c_first = lax.div(start - base, CH)
            c_last = jnp.where(
                end > start, lax.div(end - 1 - base, CH), c_first - 1
            )

            def chunk_body(c, cops):
                res, *acc = cops

                def do_cross(_):
                    cm = lax.rem(c, NBUF)
                    for b in range(NBUF):
                        @pl.when(cm == b)
                        def _(b=b):
                            wait_dma(b, sems[b])

                    nc = c + 2

                    @pl.when(nc < nchunks)
                    def _():
                        ncm = lax.rem(nc, NBUF)
                        for b in range(NBUF):
                            @pl.when(ncm == b)
                            def _(b=b):
                                start_dma(nc, b, sems[b])

                    return c

                res = lax.cond(c > res, do_cross, lambda _: res, 0)

                st_dma = jnp.minimum(base + c * CH, N_EDGES - CH)
                off = (lax.rem(c, NBUF) * CH - st_dma) * D
                lo = jnp.maximum(start, base + c * CH)
                hi = jnp.minimum(end, base + (c + 1) * CH)

                def row_body(e, acc):
                    bi = off + e * D
                    return tuple(
                        jnp.maximum(acc[j], buf_v[pl.ds(bi + 16 * j, 16)])
                        for j in range(NLANES)
                    )

                acc = lax.fori_loop(lo, hi, row_body, tuple(acc))
                return (res,) + acc

            init = (res,) + tuple([minus_inf] * NLANES)
            res, *acc = lax.fori_loop(c_first, c_last + 1, chunk_body, init)

            @pl.when(end > start)
            def _():
                for j in range(NLANES):
                    acc_v[pl.ds(s * D + 16 * j, 16)] = acc[j]

            return (res, end)

        lax.fori_loop(0, SEG_PER_W, seg_body, (jnp.int32(-1), e_lo))

        @pl.when(wid < NW - 1)
        def _():
            pltpu.sync_copy(acc_v, pool_hbm.at[pl.ds(s0 * D, SEG_PER_W * D)])
            pltpu.sync_copy(seen_v, seen_hbm.at[pl.ds(s0, SEG_PER_W)])

        @pl.when(wid == NW - 1)
        def _():
            pltpu.sync_copy(
                acc_v.at[pl.ds(0, LAST_W * D)],
                pool_hbm.at[pl.ds(s0 * D, LAST_W * D)],
            )
            pltpu.sync_copy(
                seen_v.at[pl.ds(0, LAST_W)], seen_hbm.at[pl.ds(s0, LAST_W)]
            )

    return seg_max(x_mod_flat, ptr32)


def kernel(x_main, x_mod, csr_idx):
    del x_main
    n_seg = csr_idx.shape[0] - 1
    ptr32 = jnp.concatenate(
        [
            csr_idx.astype(jnp.int32),
            jnp.full((PTR_PAD - n_seg - 1,), N_EDGES, jnp.int32),
        ]
    )
    pool_flat, seen_i32 = _seg_max_sc(x_mod.reshape(-1), ptr32)
    return (pool_flat.reshape(n_seg, D), seen_i32.astype(bool))

# --- scband reference (transcript-rebuilt; emitter-appended) ---
"""Pipeline reference for scband-bimodal-csrpool-72310069395685 (READ-ONLY COPY).

The authoritative reference and input builder live on the scoring server;
editing this copy changes nothing except your own understanding.
"""

import jax, jax.numpy as jnp
import numpy as np

N_NODES = 10000
N_EDGES = 320000
D = 128


def setup_inputs(seed: int = 0) -> dict:
    key = jax.random.key(seed)
    k1, k2, k3 = jax.random.split(key, 3)
    x_main = jax.random.normal(k1, (N_NODES, D), dtype=jnp.float32)
    x_mod = jax.random.normal(k2, (N_EDGES, D), dtype=jnp.float32)
    # Well-formed CSR pointer vector: starts at 0, ends at N_EDGES, monotonic.
    inner = jnp.sort(jax.random.randint(k3, (N_NODES - 1,), 0, N_EDGES + 1))
    csr_idx = jnp.concatenate([
        jnp.zeros((1,), dtype=inner.dtype),
        inner,
        jnp.full((1,), N_EDGES, dtype=inner.dtype),
    ]).astype(jnp.int64)
    return {"x_main": x_main, "x_mod": x_mod, "csr_idx": csr_idx}


def reference(x_main, x_mod, csr_idx):
    # Faithful jax translation of torch_scatter.segment_csr(x_mod, csr_idx, reduce='max')
    E = x_mod.shape[0]
    n_seg = csr_idx.shape[0] - 1
    # Map each flat element to its CSR segment via the pointer vector.
    seg_ids = jnp.searchsorted(csr_idx, jnp.arange(E), side='right') - 1
    seg_ids = jnp.clip(seg_ids, 0, n_seg - 1)
    pooled = jax.ops.segment_max(x_mod, seg_ids, num_segments=n_seg)
    # x_seen: segments with at least one element
    x_seen = csr_idx[1:] > csr_idx[:-1]
    # torch_scatter.segment_csr fills empty segments with 0 for 'max'
    x_pool = jnp.where(x_seen[:, None], pooled, jnp.zeros_like(pooled))
    return (x_pool, x_seen)

if __name__ == "__main__":
    import jax
    _d = setup_inputs()
    print(jax.jit(kernel)(*tuple(_d.values())))

</pallas_src>

<mosaic_0001>
#map = affine_map<(d0, d1) -> (0)>
module attributes {stable_mosaic.version = 14 : i64} {
  func.func @seg_max(%arg0: i32, %arg1: i32, %arg2: memref<40960000xf32, #tpu.memory_space<hbm>>, %arg3: memref<10264xi32, #tpu.memory_space<hbm>>, %arg4: memref<1280000xf32, #tpu.memory_space<hbm>>, %arg5: memref<10000xi32, #tpu.memory_space<hbm>>, %arg6: memref<344xi32, #tpu.memory_space<vmem>>, %arg7: memref<40960xf32, #tpu.memory_space<vmem>>, %arg8: memref<320xi32, #tpu.memory_space<vmem>>, %arg9: memref<86016xf32, #tpu.memory_space<vmem>>, %arg10: memref<!tpu.dma_semaphore, #tpu.memory_space<semaphore_mem>>, %arg11: memref<!tpu.dma_semaphore, #tpu.memory_space<semaphore_mem>>, %arg12: memref<!tpu.dma_semaphore, #tpu.memory_space<semaphore_mem>>) attributes {dimension_semantics = [#tpu.dimension_semantics<core_parallel>, #tpu.dimension_semantics<subcore_parallel>], iteration_bounds = array<i64: 2, 16>, scalar_prefetch = 0 : i64, scratch_operands = 7 : i64, tpu.core_type = #tpu.core_type<sc_vector_subcore>, window_params = [{transform_indices = #map}, {transform_indices = #map}, {transform_indices = #map}, {transform_indices = #map}]} {
    %mul3A = arith.constant 2 : i32
    %mul3A_0 = arith.muli %arg1, %mul3A : i32
    %add3A = arith.addi %mul3A_0, %arg0 : i32
    %mul3A_1 = arith.constant 320 : i32
    %mul3A_2 = arith.muli %add3A, %mul3A_1 : i32
    "tpu.region"() ({
      %run_scoped3A = tpu.sem_alloc : memref<!tpu.dma_semaphore, #tpu.memory_space<semaphore_mem>>
      %dma_start3A = tpu.memref_slice %arg3[%mul3A_2] : memref<10264xi32, #tpu.memory_space<hbm>> -> memref<344xi32, #tpu.memory_space<hbm>>
      %dma_start3A_386 = tpu.memref_slice %arg3[%mul3A_2] : memref<10264xi32, #tpu.memory_space<hbm>> -> memref<344xi32, #tpu.memory_space<hbm>>
      tpu.enqueue_dma source(%dma_start3A_386 : memref<344xi32, #tpu.memory_space<hbm>>) target(%arg6 : memref<344xi32, #tpu.memory_space<vmem>>) target_semaphore(%run_scoped3A : memref<!tpu.dma_semaphore, #tpu.memory_space<semaphore_mem>>)
      %dma_wait3A = tpu.memref_slice %arg3[%mul3A_2] : memref<10264xi32, #tpu.memory_space<hbm>> -> memref<344xi32, #tpu.memory_space<hbm>>
      %dma_wait3A_387 = tpu.memref_slice %arg3[%mul3A_2] : memref<10264xi32, #tpu.memory_space<hbm>> -> memref<344xi32, #tpu.memory_space<hbm>>
      tpu.wait_dma2 semaphore(%run_scoped3A : memref<!tpu.dma_semaphore, #tpu.memory_space<semaphore_mem>>) src(%dma_wait3A_387 : memref<344xi32, #tpu.memory_space<hbm>>) dst(%arg6 : memref<344xi32, #tpu.memory_space<vmem>>)
      tpu.yield
    }) : () -> ()
    %get3A = arith.constant 0 : index
    %get3A_3 = tpu.vector_load %arg6[%get3A] {strides = array<i32>} : memref<344xi32, #tpu.memory_space<vmem>>, vector<16xi32>,
    %get3A_4 = vector.shape_cast %get3A_3 : vector<16xi32> to vector<16xi32>
    %slice3A = vector.extract_strided_slice %get3A_4 {offsets = [0], sizes = [1], strides = [1]} : vector<16xi32> to vector<1xi32>
    %squeeze3A = vector.extract %slice3A[0] : i32 from vector<1xi32>
    %get3A_5 = arith.constant 320 : index
    %get3A_6 = tpu.vector_load %arg6[%get3A_5] {strides = array<i32>} : memref<344xi32, #tpu.memory_space<vmem>>, vector<16xi32>,
    %get3A_7 = vector.shape_cast %get3A_6 : vector<16xi32> to vector<16xi32>
    %slice3A_8 = vector.extract_strided_slice %get3A_7 {offsets = [0], sizes = [1], strides = [1]} : vector<16xi32> to vector<1xi32>
    %squeeze3A_9 = vector.extract %slice3A_8[0] : i32 from vector<1xi32>
    %jit3A = arith.constant 8 : i32
    %div3A = arith.divsi %squeeze3A, %jit3A : i32
    %sign3A = arith.constant 0 : i32
    %sign3A_10 = arith.cmpi sgt, %squeeze3A, %sign3A : i32
    %sign3A_11 = arith.extui %sign3A_10 : i1 to i32
    %sign3A_12 = arith.constant 0 : i32
    %sign3A_13 = arith.cmpi slt, %squeeze3A, %sign3A_12 : i32
    %sign3A_14 = arith.extui %sign3A_13 : i1 to i32
    %sign3A_15 = arith.subi %sign3A_11, %sign3A_14 : i32
    %sign3A_16 = arith.constant 0 : i32
    %sign3A_17 = arith.cmpi sgt, %jit3A, %sign3A_16 : i32
    %sign3A_18 = arith.extui %sign3A_17 : i1 to i32
    %sign3A_19 = arith.constant 0 : i32
    %sign3A_20 = arith.cmpi slt, %jit3A, %sign3A_19 : i32
    %sign3A_21 = arith.extui %sign3A_20 : i1 to i32
    %sign3A_22 = arith.subi %sign3A_18, %sign3A_21 : i32
    %ne3A = arith.cmpi ne, %sign3A_15, %sign3A_22 : i32
    %rem3A = arith.remsi %squeeze3A, %jit3A : i32
    %ne3A_23 = arith.constant 0 : i32
    %ne3A_24 = arith.cmpi ne, %rem3A, %ne3A_23 : i32
    %and3A = arith.andi %ne3A, %ne3A_24 : i1
    %sub3A = arith.constant 1 : i32
    %sub3A_25 = arith.subi %div3A, %sub3A : i32
    %select_n3A = arith.select %and3A, %sub3A_25, %div3A : i32
    %mul3A_26 = arith.constant 8 : i32
    %mul3A_27 = arith.muli %select_n3A, %mul3A_26 : i32
    %gt3A = arith.cmpi sgt, %squeeze3A_9, %squeeze3A : i32
    %sub3A_28 = arith.subi %squeeze3A_9, %mul3A_27 : i32
    %add3A_29 = arith.constant 223 : i32
    %add3A_30 = arith.addi %sub3A_28, %add3A_29 : i32
    %div3A_31 = arith.constant 224 : i32
    %div3A_32 = arith.divsi %add3A_30, %div3A_31 : i32
    %jit3A_33 = arith.constant 0 : i32
    %select_n3A_34 = arith.select %gt3A, %div3A_32, %jit3A_33 : i32
    %gt3A_35 = arith.constant 0 : i32
    %gt3A_36 = arith.cmpi sgt, %select_n3A_34, %gt3A_35 : i32
    %convert_element_type3A = arith.extui %gt3A_36 : i1 to i32
    %cond3A = arith.constant 0 : i32
    %cond3A_37 = arith.cmpi ne, %convert_element_type3A, %cond3A : i32
    scf.if %cond3A_37 {
      %add3A_386 = arith.constant 0 : i32
      %add3A_387 = arith.addi %mul3A_27, %add3A_386 : i32
      %min3A = arith.constant 319776 : i32
      %min3A_388 = arith.minsi %add3A_387, %min3A : i32
      %multiple_of3A = tpu.assume_multiple %min3A_388, 8 : i32
      %mul3A_389 = arith.constant 128 : i32
      %mul3A_390 = arith.muli %multiple_of3A, %mul3A_389 : i32
      %dma_start3A = arith.constant 0 : i32
      %dma_start3A_391 = tpu.memref_slice %arg9[%dma_start3A] : memref<86016xf32, #tpu.memory_space<vmem>> -> memref<28672xf32, #tpu.memory_space<vmem>>
      %dma_start3A_392 = tpu.memref_slice %arg2[%mul3A_390] : memref<40960000xf32, #tpu.memory_space<hbm>> -> memref<28672xf32, #tpu.memory_space<hbm>>
      %dma_start3A_393 = arith.constant 0 : i32
      %dma_start3A_394 = tpu.memref_slice %arg9[%dma_start3A_393] : memref<86016xf32, #tpu.memory_space<vmem>> -> memref<28672xf32, #tpu.memory_space<vmem>>
      %dma_start3A_395 = tpu.memref_slice %arg2[%mul3A_390] : memref<40960000xf32, #tpu.memory_space<hbm>> -> memref<28672xf32, #tpu.memory_space<hbm>>
      tpu.enqueue_dma source(%dma_start3A_395 : memref<28672xf32, #tpu.memory_space<hbm>>) target(%dma_start3A_394 : memref<28672xf32, #tpu.memory_space<vmem>>) target_semaphore(%arg10 : memref<!tpu.dma_semaphore, #tpu.memory_space<semaphore_mem>>)
    } else {
    }
    %gt3A_38 = arith.constant 1 : i32
    %gt3A_39 = arith.cmpi sgt, %select_n3A_34, %gt3A_38 : i32
    %convert_element_type3A_40 = arith.extui %gt3A_39 : i1 to i32
    %cond3A_41 = arith.constant 0 : i32
    %cond3A_42 = arith.cmpi ne, %convert_element_type3A_40, %cond3A_41 : i32
    scf.if %cond3A_42 {
      %add3A_386 = arith.constant 224 : i32
      %add3A_387 = arith.addi %mul3A_27, %add3A_386 : i32
      %min3A = arith.constant 319776 : i32
      %min3A_388 = arith.minsi %add3A_387, %min3A : i32
      %multiple_of3A = tpu.assume_multiple %min3A_388, 8 : i32
      %mul3A_389 = arith.constant 128 : i32
      %mul3A_390 = arith.muli %multiple_of3A, %mul3A_389 : i32
      %dma_start3A = arith.constant 28672 : i32
      %dma_start3A_391 = tpu.memref_slice %arg9[%dma_start3A] : memref<86016xf32, #tpu.memory_space<vmem>> -> memref<28672xf32, #tpu.memory_space<vmem>>
      %dma_start3A_392 = tpu.memref_slice %arg2[%mul3A_390] : memref<40960000xf32, #tpu.memory_space<hbm>> -> memref<28672xf32, #tpu.memory_space<hbm>>
      %dma_start3A_393 = arith.constant 28672 : i32
      %dma_start3A_394 = tpu.memref_slice %arg9[%dma_start3A_393] : memref<86016xf32, #tpu.memory_space<vmem>> -> memref<28672xf32, #tpu.memory_space<vmem>>
      %dma_start3A_395 = tpu.memref_slice %arg2[%mul3A_390] : memref<40960000xf32, #tpu.memory_space<hbm>> -> memref<28672xf32, #tpu.memory_space<hbm>>
      tpu.enqueue_dma source(%dma_start3A_395 : memref<28672xf32, #tpu.memory_space<hbm>>) target(%dma_start3A_394 : memref<28672xf32, #tpu.memory_space<vmem>>) target_semaphore(%arg11 : memref<!tpu.dma_semaphore, #tpu.memory_space<semaphore_mem>>)
    } else {
    }
    %broadcast_in_dim3A = arith.constant 0.000000e+00 : f32
    %broadcast_in_dim3A_43 = vector.broadcast %broadcast_in_dim3A : f32 to vector<16xf32>
    %scan3A = arith.constant 0 : i32
    %scan3A_44 = arith.constant 0 : i32
    %scan3A_45 = arith.constant 320 : i32
    %scan3A_46 = arith.addi %scan3A_44, %scan3A_45 : i32
    %scan3A_47 = arith.constant 1 : i32
    %scan3A_48 = scf.for %scan3A_386 = %scan3A_44 to %scan3A_46 step %scan3A_47 iter_args(%scan3A_387 = %scan3A) -> (i32)  : i32 {
      %mul3A_388 = arith.constant 128 : i32
      %mul3A_389 = arith.muli %scan3A_386, %mul3A_388 : i32
      %add3A_390 = arith.constant 0 : i32
      %add3A_391 = arith.addi %mul3A_389, %add3A_390 : i32
      %swap3A_392 = arith.index_cast %add3A_391 : i32 to index
      %swap3A_393 = tpu.vector_load %arg7[%swap3A_392] {strides = array<i32>} : memref<40960xf32, #tpu.memory_space<vmem>>, vector<16xf32>,
      %swap3A_394 = vector.shape_cast %swap3A_393 : vector<16xf32> to vector<16xf32>
      %swap3A_395 = vector.shape_cast %broadcast_in_dim3A_43 : vector<16xf32> to vector<16xf32>
      tpu.vector_store %arg7[%swap3A_392], %swap3A_395 {strides = array<i32>} : memref<40960xf32, #tpu.memory_space<vmem>>, vector<16xf32>,
      %mul3A_396 = arith.constant 128 : i32
      %mul3A_397 = arith.muli %scan3A_386, %mul3A_396 : i32
      %add3A_398 = arith.constant 16 : i32
      %add3A_399 = arith.addi %mul3A_397, %add3A_398 : i32
      %swap3A_400 = arith.index_cast %add3A_399 : i32 to index
      %swap3A_401 = tpu.vector_load %arg7[%swap3A_400] {strides = array<i32>} : memref<40960xf32, #tpu.memory_space<vmem>>, vector<16xf32>,
      %swap3A_402 = vector.shape_cast %swap3A_401 : vector<16xf32> to vector<16xf32>
      %swap3A_403 = vector.shape_cast %broadcast_in_dim3A_43 : vector<16xf32> to vector<16xf32>
      tpu.vector_store %arg7[%swap3A_400], %swap3A_403 {strides = array<i32>} : memref<40960xf32, #tpu.memory_space<vmem>>, vector<16xf32>,
      %mul3A_404 = arith.constant 128 : i32
      %mul3A_405 = arith.muli %scan3A_386, %mul3A_404 : i32
      %add3A_406 = arith.constant 32 : i32
      %add3A_407 = arith.addi %mul3A_405, %add3A_406 : i32
      %swap3A_408 = arith.index_cast %add3A_407 : i32 to index
      %swap3A_409 = tpu.vector_load %arg7[%swap3A_408] {strides = array<i32>} : memref<40960xf32, #tpu.memory_space<vmem>>, vector<16xf32>,
      %swap3A_410 = vector.shape_cast %swap3A_409 : vector<16xf32> to vector<16xf32>
      %swap3A_411 = vector.shape_cast %broadcast_in_dim3A_43 : vector<16xf32> to vector<16xf32>
      tpu.vector_store %arg7[%swap3A_408], %swap3A_411 {strides = array<i32>} : memref<40960xf32, #tpu.memory_space<vmem>>, vector<16xf32>,
      %mul3A_412 = arith.constant 128 : i32
      %mul3A_413 = arith.muli %scan3A_386, %mul3A_412 : i32
      %add3A_414 = arith.constant 48 : i32
      %add3A_415 = arith.addi %mul3A_413, %add3A_414 : i32
      %swap3A_416 = arith.index_cast %add3A_415 : i32 to index
      %swap3A_417 = tpu.vector_load %arg7[%swap3A_416] {strides = array<i32>} : memref<40960xf32, #tpu.memory_space<vmem>>, vector<16xf32>,
      %swap3A_418 = vector.shape_cast %swap3A_417 : vector<16xf32> to vector<16xf32>
      %swap3A_419 = vector.shape_cast %broadcast_in_dim3A_43 : vector<16xf32> to vector<16xf32>
      tpu.vector_store %arg7[%swap3A_416], %swap3A_419 {strides = array<i32>} : memref<40960xf32, #tpu.memory_space<vmem>>, vector<16xf32>,
      %mul3A_420 = arith.constant 128 : i32
      %mul3A_421 = arith.muli %scan3A_386, %mul3A_420 : i32
      %add3A_422 = arith.constant 64 : i32
      %add3A_423 = arith.addi %mul3A_421, %add3A_422 : i32
      %swap3A_424 = arith.index_cast %add3A_423 : i32 to index
      %swap3A_425 = tpu.vector_load %arg7[%swap3A_424] {strides = array<i32>} : memref<40960xf32, #tpu.memory_space<vmem>>, vector<16xf32>,
      %swap3A_426 = vector.shape_cast %swap3A_425 : vector<16xf32> to vector<16xf32>
      %swap3A_427 = vector.shape_cast %broadcast_in_dim3A_43 : vector<16xf32> to vector<16xf32>
      tpu.vector_store %arg7[%swap3A_424], %swap3A_427 {strides = array<i32>} : memref<40960xf32, #tpu.memory_space<vmem>>, vector<16xf32>,
      %mul3A_428 = arith.constant 128 : i32
      %mul3A_429 = arith.muli %scan3A_386, %mul3A_428 : i32
      %add3A_430 = arith.constant 80 : i32
      %add3A_431 = arith.addi %mul3A_429, %add3A_430 : i32
      %swap3A_432 = arith.index_cast %add3A_431 : i32 to index
      %swap3A_433 = tpu.vector_load %arg7[%swap3A_432] {strides = array<i32>} : memref<40960xf32, #tpu.memory_space<vmem>>, vector<16xf32>,
      %swap3A_434 = vector.shape_cast %swap3A_433 : vector<16xf32> to vector<16xf32>
      %swap3A_435 = vector.shape_cast %broadcast_in_dim3A_43 : vector<16xf32> to vector<16xf32>
      tpu.vector_store %arg7[%swap3A_432], %swap3A_435 {strides = array<i32>} : memref<40960xf32, #tpu.memory_space<vmem>>, vector<16xf32>,
      %mul3A_436 = arith.constant 128 : i32
      %mul3A_437 = arith.muli %scan3A_386, %mul3A_436 : i32
      %add3A_438 = arith.constant 96 : i32
      %add3A_439 = arith.addi %mul3A_437, %add3A_438 : i32
      %swap3A_440 = arith.index_cast %add3A_439 : i32 to index
      %swap3A_441 = tpu.vector_load %arg7[%swap3A_440] {strides = array<i32>} : memref<40960xf32, #tpu.memory_space<vmem>>, vector<16xf32>,
      %swap3A_442 = vector.shape_cast %swap3A_441 : vector<16xf32> to vector<16xf32>
      %swap3A_443 = vector.shape_cast %broadcast_in_dim3A_43 : vector<16xf32> to vector<16xf32>
      tpu.vector_store %arg7[%swap3A_440], %swap3A_443 {strides = array<i32>} : memref<40960xf32, #tpu.memory_space<vmem>>, vector<16xf32>,
      %mul3A_444 = arith.constant 128 : i32
      %mul3A_445 = arith.muli %scan3A_386, %mul3A_444 : i32
      %add3A_446 = arith.constant 112 : i32
      %add3A_447 = arith.addi %mul3A_445, %add3A_446 : i32
      %swap3A_448 = arith.index_cast %add3A_447 : i32 to index
      %swap3A_449 = tpu.vector_load %arg7[%swap3A_448] {strides = array<i32>} : memref<40960xf32, #tpu.memory_space<vmem>>, vector<16xf32>,
      %swap3A_450 = vector.shape_cast %swap3A_449 : vector<16xf32> to vector<16xf32>
      %swap3A_451 = vector.shape_cast %broadcast_in_dim3A_43 : vector<16xf32> to vector<16xf32>
      tpu.vector_store %arg7[%swap3A_448], %swap3A_451 {strides = array<i32>} : memref<40960xf32, #tpu.memory_space<vmem>>, vector<16xf32>,
      %scan3A_452 = arith.constant 0 : i32
      scf.yield %scan3A_452 : i32
    }
    %scan3A_49 = arith.constant 320 : i32
    %get3A_50 = arith.constant 0 : index
    %get3A_51 = tpu.vector_load %arg6[%get3A_50] {strides = array<i32>} : memref<344xi32, #tpu.memory_space<vmem>>, vector<16xi32>,
    %get3A_52 = vector.shape_cast %get3A_51 : vector<16xi32> to vector<16xi32>
    %get3A_53 = arith.constant 1 : index
    %get3A_54 = tpu.vector_load %arg6[%get3A_53] {strides = array<i32>} : memref<344xi32, #tpu.memory_space<vmem>>, vector<16xi32>,
    %get3A_55 = vector.shape_cast %get3A_54 : vector<16xi32> to vector<16xi32>
    %gt3A_56 = arith.cmpi sgt, %get3A_55, %get3A_52 : vector<16xi32>
    %jit3A_57 = arith.constant 1 : i32
    %jit3A_58 = arith.constant 0 : i32
    %broadcast_in_dim3A_59 = vector.broadcast %jit3A_57 : i32 to vector<16xi32>
    %broadcast_in_dim3A_60 = vector.broadcast %jit3A_58 : i32 to vector<16xi32>
    %select_n3A_61 = arith.select %gt3A_56, %broadcast_in_dim3A_59, %broadcast_in_dim3A_60 : vector<16xi1>, vector<16xi32>
    %swap3A = arith.constant 0 : index
    %swap3A_62 = tpu.vector_load %arg8[%swap3A] {strides = array<i32>} : memref<320xi32, #tpu.memory_space<vmem>>, vector<16xi32>,
    %swap3A_63 = vector.shape_cast %swap3A_62 : vector<16xi32> to vector<16xi32>
    %swap3A_64 = vector.shape_cast %select_n3A_61 : vector<16xi32> to vector<16xi32>
    tpu.vector_store %arg8[%swap3A], %swap3A_64 {strides = array<i32>} : memref<320xi32, #tpu.memory_space<vmem>>, vector<16xi32>,
    %get3A_65 = arith.constant 16 : index
    %get3A_66 = tpu.vector_load %arg6[%get3A_65] {strides = array<i32>} : memref<344xi32, #tpu.memory_space<vmem>>, vector<16xi32>,
    %get3A_67 = vector.shape_cast %get3A_66 : vector<16xi32> to vector<16xi32>
    %get3A_68 = arith.constant 17 : index
    %get3A_69 = tpu.vector_load %arg6[%get3A_68] {strides = array<i32>} : memref<344xi32, #tpu.memory_space<vmem>>, vector<16xi32>,
    %get3A_70 = vector.shape_cast %get3A_69 : vector<16xi32> to vector<16xi32>
    %gt3A_71 = arith.cmpi sgt, %get3A_70, %get3A_67 : vector<16xi32>
    %jit3A_72 = arith.constant 1 : i32
    %jit3A_73 = arith.constant 0 : i32
    %broadcast_in_dim3A_74 = vector.broadcast %jit3A_72 : i32 to vector<16xi32>
    %broadcast_in_dim3A_75 = vector.broadcast %jit3A_73 : i32 to vector<16xi32>
    %select_n3A_76 = arith.select %gt3A_71, %broadcast_in_dim3A_74, %broadcast_in_dim3A_75 : vector<16xi1>, vector<16xi32>
    %swap3A_77 = arith.constant 16 : index
    %swap3A_78 = tpu.vector_load %arg8[%swap3A_77] {strides = array<i32>} : memref<320xi32, #tpu.memory_space<vmem>>, vector<16xi32>,
    %swap3A_79 = vector.shape_cast %swap3A_78 : vector<16xi32> to vector<16xi32>
    %swap3A_80 = vector.shape_cast %select_n3A_76 : vector<16xi32> to vector<16xi32>
    tpu.vector_store %arg8[%swap3A_77], %swap3A_80 {strides = array<i32>} : memref<320xi32, #tpu.memory_space<vmem>>, vector<16xi32>,
    %get3A_81 = arith.constant 32 : index
    %get3A_82 = tpu.vector_load %arg6[%get3A_81] {strides = array<i32>} : memref<344xi32, #tpu.memory_space<vmem>>, vector<16xi32>,
    %get3A_83 = vector.shape_cast %get3A_82 : vector<16xi32> to vector<16xi32>
    %get3A_84 = arith.constant 33 : index
    %get3A_85 = tpu.vector_load %arg6[%get3A_84] {strides = array<i32>} : memref<344xi32, #tpu.memory_space<vmem>>, vector<16xi32>,
    %get3A_86 = vector.shape_cast %get3A_85 : vector<16xi32> to vector<16xi32>
    %gt3A_87 = arith.cmpi sgt, %get3A_86, %get3A_83 : vector<16xi32>
    %jit3A_88 = arith.constant 1 : i32
    %jit3A_89 = arith.constant 0 : i32
    %broadcast_in_dim3A_90 = vector.broadcast %jit3A_88 : i32 to vector<16xi32>
    %broadcast_in_dim3A_91 = vector.broadcast %jit3A_89 : i32 to vector<16xi32>
    %select_n3A_92 = arith.select %gt3A_87, %broadcast_in_dim3A_90, %broadcast_in_dim3A_91 : vector<16xi1>, vector<16xi32>
    %swap3A_93 = arith.constant 32 : index
    %swap3A_94 = tpu.vector_load %arg8[%swap3A_93] {strides = array<i32>} : memref<320xi32, #tpu.memory_space<vmem>>, vector<16xi32>,
    %swap3A_95 = vector.shape_cast %swap3A_94 : vector<16xi32> to vector<16xi32>
    %swap3A_96 = vector.shape_cast %select_n3A_92 : vector<16xi32> to vector<16xi32>
    tpu.vector_store %arg8[%swap3A_93], %swap3A_96 {strides = array<i32>} : memref<320xi32, #tpu.memory_space<vmem>>, vector<16xi32>,
    %get3A_97 = arith.constant 48 : index
    %get3A_98 = tpu.vector_load %arg6[%get3A_97] {strides = array<i32>} : memref<344xi32, #tpu.memory_space<vmem>>, vector<16xi32>,
    %get3A_99 = vector.shape_cast %get3A_98 : vector<16xi32> to vector<16xi32>
    %get3A_100 = arith.constant 49 : index
    %get3A_101 = tpu.vector_load %arg6[%get3A_100] {strides = array<i32>} : memref<344xi32, #tpu.memory_space<vmem>>, vector<16xi32>,
    %get3A_102 = vector.shape_cast %get3A_101 : vector<16xi32> to vector<16xi32>
    %gt3A_103 = arith.cmpi sgt, %get3A_102, %get3A_99 : vector<16xi32>
    %jit3A_104 = arith.constant 1 : i32
    %jit3A_105 = arith.constant 0 : i32
    %broadcast_in_dim3A_106 = vector.broadcast %jit3A_104 : i32 to vector<16xi32>
    %broadcast_in_dim3A_107 = vector.broadcast %jit3A_105 : i32 to vector<16xi32>
    %select_n3A_108 = arith.select %gt3A_103, %broadcast_in_dim3A_106, %broadcast_in_dim3A_107 : vector<16xi1>, vector<16xi32>
    %swap3A_109 = arith.constant 48 : index
    %swap3A_110 = tpu.vector_load %arg8[%swap3A_109] {strides = array<i32>} : memref<320xi32, #tpu.memory_space<vmem>>, vector<16xi32>,
    %swap3A_111 = vector.shape_cast %swap3A_110 : vector<16xi32> to vector<16xi32>
    %swap3A_112 = vector.shape_cast %select_n3A_108 : vector<16xi32> to vector<16xi32>
    tpu.vector_store %arg8[%swap3A_109], %swap3A_112 {strides = array<i32>} : memref<320xi32, #tpu.memory_space<vmem>>, vector<16xi32>,
    %get3A_113 = arith.constant 64 : index
    %get3A_114 = tpu.vector_load %arg6[%get3A_113] {strides = array<i32>} : memref<344xi32, #tpu.memory_space<vmem>>, vector<16xi32>,
    %get3A_115 = vector.shape_cast %get3A_114 : vector<16xi32> to vector<16xi32>
    %get3A_116 = arith.constant 65 : index
    %get3A_117 = tpu.vector_load %arg6[%get3A_116] {strides = array<i32>} : memref<344xi32, #tpu.memory_space<vmem>>, vector<16xi32>,
    %get3A_118 = vector.shape_cast %get3A_117 : vector<16xi32> to vector<16xi32>
    %gt3A_119 = arith.cmpi sgt, %get3A_118, %get3A_115 : vector<16xi32>
    %jit3A_120 = arith.constant 1 : i32
    %jit3A_121 = arith.constant 0 : i32
    %broadcast_in_dim3A_122 = vector.broadcast %jit3A_120 : i32 to vector<16xi32>
    %broadcast_in_dim3A_123 = vector.broadcast %jit3A_121 : i32 to vector<16xi32>
    %select_n3A_124 = arith.select %gt3A_119, %broadcast_in_dim3A_122, %broadcast_in_dim3A_123 : vector<16xi1>, vector<16xi32>
    %swap3A_125 = arith.constant 64 : index
    %swap3A_126 = tpu.vector_load %arg8[%swap3A_125] {strides = array<i32>} : memref<320xi32, #tpu.memory_space<vmem>>, vector<16xi32>,
    %swap3A_127 = vector.shape_cast %swap3A_126 : vector<16xi32> to vector<16xi32>
    %swap3A_128 = vector.shape_cast %select_n3A_124 : vector<16xi32> to vector<16xi32>
    tpu.vector_store %arg8[%swap3A_125], %swap3A_128 {strides = array<i32>} : memref<320xi32, #tpu.memory_space<vmem>>, vector<16xi32>,
    %get3A_129 = arith.constant 80 : index
    %get3A_130 = tpu.vector_load %arg6[%get3A_129] {strides = array<i32>} : memref<344xi32, #tpu.memory_space<vmem>>, vector<16xi32>,
    %get3A_131 = vector.shape_cast %get3A_130 : vector<16xi32> to vector<16xi32>
    %get3A_132 = arith.constant 81 : index
    %get3A_133 = tpu.vector_load %arg6[%get3A_132] {strides = array<i32>} : memref<344xi32, #tpu.memory_space<vmem>>, vector<16xi32>,
    %get3A_134 = vector.shape_cast %get3A_133 : vector<16xi32> to vector<16xi32>
    %gt3A_135 = arith.cmpi sgt, %get3A_134, %get3A_131 : vector<16xi32>
    %jit3A_136 = arith.constant 1 : i32
    %jit3A_137 = arith.constant 0 : i32
    %broadcast_in_dim3A_138 = vector.broadcast %jit3A_136 : i32 to vector<16xi32>
    %broadcast_in_dim3A_139 = vector.broadcast %jit3A_137 : i32 to vector<16xi32>
    %select_n3A_140 = arith.select %gt3A_135, %broadcast_in_dim3A_138, %broadcast_in_dim3A_139 : vector<16xi1>, vector<16xi32>
    %swap3A_141 = arith.constant 80 : index
    %swap3A_142 = tpu.vector_load %arg8[%swap3A_141] {strides = array<i32>} : memref<320xi32, #tpu.memory_space<vmem>>, vector<16xi32>,
    %swap3A_143 = vector.shape_cast %swap3A_142 : vector<16xi32> to vector<16xi32>
    %swap3A_144 = vector.shape_cast %select_n3A_140 : vector<16xi32> to vector<16xi32>
    tpu.vector_store %arg8[%swap3A_141], %swap3A_144 {strides = array<i32>} : memref<320xi32, #tpu.memory_space<vmem>>, vector<16xi32>,
    %get3A_145 = arith.constant 96 : index
    %get3A_146 = tpu.vector_load %arg6[%get3A_145] {strides = array<i32>} : memref<344xi32, #tpu.memory_space<vmem>>, vector<16xi32>,
    %get3A_147 = vector.shape_cast %get3A_146 : vector<16xi32> to vector<16xi32>
    %get3A_148 = arith.constant 97 : index
    %get3A_149 = tpu.vector_load %arg6[%get3A_148] {strides = array<i32>} : memref<344xi32, #tpu.memory_space<vmem>>, vector<16xi32>,
    %get3A_150 = vector.shape_cast %get3A_149 : vector<16xi32> to vector<16xi32>
    %gt3A_151 = arith.cmpi sgt, %get3A_150, %get3A_147 : vector<16xi32>
    %jit3A_152 = arith.constant 1 : i32
    %jit3A_153 = arith.constant 0 : i32
    %broadcast_in_dim3A_154 = vector.broadcast %jit3A_152 : i32 to vector<16xi32>
    %broadcast_in_dim3A_155 = vector.broadcast %jit3A_153 : i32 to vector<16xi32>
    %select_n3A_156 = arith.select %gt3A_151, %broadcast_in_dim3A_154, %broadcast_in_dim3A_155 : vector<16xi1>, vector<16xi32>
    %swap3A_157 = arith.constant 96 : index
    %swap3A_158 = tpu.vector_load %arg8[%swap3A_157] {strides = array<i32>} : memref<320xi32, #tpu.memory_space<vmem>>, vector<16xi32>,
    %swap3A_159 = vector.shape_cast %swap3A_158 : vector<16xi32> to vector<16xi32>
    %swap3A_160 = vector.shape_cast %select_n3A_156 : vector<16xi32> to vector<16xi32>
    tpu.vector_store %arg8[%swap3A_157], %swap3A_160 {strides = array<i32>} : memref<320xi32, #tpu.memory_space<vmem>>, vector<16xi32>,
    %get3A_161 = arith.constant 112 : index
    %get3A_162 = tpu.vector_load %arg6[%get3A_161] {strides = array<i32>} : memref<344xi32, #tpu.memory_space<vmem>>, vector<16xi32>,
    %get3A_163 = vector.shape_cast %get3A_162 : vector<16xi32> to vector<16xi32>
    %get3A_164 = arith.constant 113 : index
    %get3A_165 = tpu.vector_load %arg6[%get3A_164] {strides = array<i32>} : memref<344xi32, #tpu.memory_space<vmem>>, vector<16xi32>,
    %get3A_166 = vector.shape_cast %get3A_165 : vector<16xi32> to vector<16xi32>
    %gt3A_167 = arith.cmpi sgt, %get3A_166, %get3A_163 : vector<16xi32>
    %jit3A_168 = arith.constant 1 : i32
    %jit3A_169 = arith.constant 0 : i32
    %broadcast_in_dim3A_170 = vector.broadcast %jit3A_168 : i32 to vector<16xi32>
    %broadcast_in_dim3A_171 = vector.broadcast %jit3A_169 : i32 to vector<16xi32>
    %select_n3A_172 = arith.select %gt3A_167, %broadcast_in_dim3A_170, %broadcast_in_dim3A_171 : vector<16xi1>, vector<16xi32>
    %swap3A_173 = arith.constant 112 : index
    %swap3A_174 = tpu.vector_load %arg8[%swap3A_173] {strides = array<i32>} : memref<320xi32, #tpu.memory_space<vmem>>, vector<16xi32>,
    %swap3A_175 = vector.shape_cast %swap3A_174 : vector<16xi32> to vector<16xi32>
    %swap3A_176 = vector.shape_cast %select_n3A_172 : vector<16xi32> to vector<16xi32>
    tpu.vector_store %arg8[%swap3A_173], %swap3A_176 {strides = array<i32>} : memref<320xi32, #tpu.memory_space<vmem>>, vector<16xi32>,
    %get3A_177 = arith.constant 128 : index
    %get3A_178 = tpu.vector_load %arg6[%get3A_177] {strides = array<i32>} : memref<344xi32, #tpu.memory_space<vmem>>, vector<16xi32>,
    %get3A_179 = vector.shape_cast %get3A_178 : vector<16xi32> to vector<16xi32>
    %get3A_180 = arith.constant 129 : index
    %get3A_181 = tpu.vector_load %arg6[%get3A_180] {strides = array<i32>} : memref<344xi32, #tpu.memory_space<vmem>>, vector<16xi32>,
    %get3A_182 = vector.shape_cast %get3A_181 : vector<16xi32> to vector<16xi32>
    %gt3A_183 = arith.cmpi sgt, %get3A_182, %get3A_179 : vector<16xi32>
    %jit3A_184 = arith.constant 1 : i32
    %jit3A_185 = arith.constant 0 : i32
    %broadcast_in_dim3A_186 = vector.broadcast %jit3A_184 : i32 to vector<16xi32>
    %broadcast_in_dim3A_187 = vector.broadcast %jit3A_185 : i32 to vector<16xi32>
    %select_n3A_188 = arith.select %gt3A_183, %broadcast_in_dim3A_186, %broadcast_in_dim3A_187 : vector<16xi1>, vector<16xi32>
    %swap3A_189 = arith.constant 128 : index
    %swap3A_190 = tpu.vector_load %arg8[%swap3A_189] {strides = array<i32>} : memref<320xi32, #tpu.memory_space<vmem>>, vector<16xi32>,
    %swap3A_191 = vector.shape_cast %swap3A_190 : vector<16xi32> to vector<16xi32>
    %swap3A_192 = vector.shape_cast %select_n3A_188 : vector<16xi32> to vector<16xi32>
    tpu.vector_store %arg8[%swap3A_189], %swap3A_192 {strides = array<i32>} : memref<320xi32, #tpu.memory_space<vmem>>, vector<16xi32>,
    %get3A_193 = arith.constant 144 : index
    %get3A_194 = tpu.vector_load %arg6[%get3A_193] {strides = array<i32>} : memref<344xi32, #tpu.memory_space<vmem>>, vector<16xi32>,
    %get3A_195 = vector.shape_cast %get3A_194 : vector<16xi32> to vector<16xi32>
    %get3A_196 = arith.constant 145 : index
    %get3A_197 = tpu.vector_load %arg6[%get3A_196] {strides = array<i32>} : memref<344xi32, #tpu.memory_space<vmem>>, vector<16xi32>,
    %get3A_198 = vector.shape_cast %get3A_197 : vector<16xi32> to vector<16xi32>
    %gt3A_199 = arith.cmpi sgt, %get3A_198, %get3A_195 : vector<16xi32>
    %jit3A_200 = arith.constant 1 : i32
    %jit3A_201 = arith.constant 0 : i32
    %broadcast_in_dim3A_202 = vector.broadcast %jit3A_200 : i32 to vector<16xi32>
    %broadcast_in_dim3A_203 = vector.broadcast %jit3A_201 : i32 to vector<16xi32>
    %select_n3A_204 = arith.select %gt3A_199, %broadcast_in_dim3A_202, %broadcast_in_dim3A_203 : vector<16xi1>, vector<16xi32>
    %swap3A_205 = arith.constant 144 : index
    %swap3A_206 = tpu.vector_load %arg8[%swap3A_205] {strides = array<i32>} : memref<320xi32, #tpu.memory_space<vmem>>, vector<16xi32>,
    %swap3A_207 = vector.shape_cast %swap3A_206 : vector<16xi32> to vector<16xi32>
    %swap3A_208 = vector.shape_cast %select_n3A_204 : vector<16xi32> to vector<16xi32>
    tpu.vector_store %arg8[%swap3A_205], %swap3A_208 {strides = array<i32>} : memref<320xi32, #tpu.memory_space<vmem>>, vector<16xi32>,
    %get3A_209 = arith.constant 160 : index
    %get3A_210 = tpu.vector_load %arg6[%get3A_209] {strides = array<i32>} : memref<344xi32, #tpu.memory_space<vmem>>, vector<16xi32>,
    %get3A_211 = vector.shape_cast %get3A_210 : vector<16xi32> to vector<16xi32>
    %get3A_212 = arith.constant 161 : index
    %get3A_213 = tpu.vector_load %arg6[%get3A_212] {strides = array<i32>} : memref<344xi32, #tpu.memory_space<vmem>>, vector<16xi32>,
    %get3A_214 = vector.shape_cast %get3A_213 : vector<16xi32> to vector<16xi32>
    %gt3A_215 = arith.cmpi sgt, %get3A_214, %get3A_211 : vector<16xi32>
    %jit3A_216 = arith.constant 1 : i32
    %jit3A_217 = arith.constant 0 : i32
    %broadcast_in_dim3A_218 = vector.broadcast %jit3A_216 : i32 to vector<16xi32>
    %broadcast_in_dim3A_219 = vector.broadcast %jit3A_217 : i32 to vector<16xi32>
    %select_n3A_220 = arith.select %gt3A_215, %broadcast_in_dim3A_218, %broadcast_in_dim3A_219 : vector<16xi1>, vector<16xi32>
    %swap3A_221 = arith.constant 160 : index
    %swap3A_222 = tpu.vector_load %arg8[%swap3A_221] {strides = array<i32>} : memref<320xi32, #tpu.memory_space<vmem>>, vector<16xi32>,
    %swap3A_223 = vector.shape_cast %swap3A_222 : vector<16xi32> to vector<16xi32>
    %swap3A_224 = vector.shape_cast %select_n3A_220 : vector<16xi32> to vector<16xi32>
    tpu.vector_store %arg8[%swap3A_221], %swap3A_224 {strides = array<i32>} : memref<320xi32, #tpu.memory_space<vmem>>, vector<16xi32>,
    %get3A_225 = arith.constant 176 : index
    %get3A_226 = tpu.vector_load %arg6[%get3A_225] {strides = array<i32>} : memref<344xi32, #tpu.memory_space<vmem>>, vector<16xi32>,
    %get3A_227 = vector.shape_cast %get3A_226 : vector<16xi32> to vector<16xi32>
    %get3A_228 = arith.constant 177 : index
    %get3A_229 = tpu.vector_load %arg6[%get3A_228] {strides = array<i32>} : memref<344xi32, #tpu.memory_space<vmem>>, vector<16xi32>,
    %get3A_230 = vector.shape_cast %get3A_229 : vector<16xi32> to vector<16xi32>
    %gt3A_231 = arith.cmpi sgt, %get3A_230, %get3A_227 : vector<16xi32>
    %jit3A_232 = arith.constant 1 : i32
    %jit3A_233 = arith.constant 0 : i32
    %broadcast_in_dim3A_234 = vector.broadcast %jit3A_232 : i32 to vector<16xi32>
    %broadcast_in_dim3A_235 = vector.broadcast %jit3A_233 : i32 to vector<16xi32>
    %select_n3A_236 = arith.select %gt3A_231, %broadcast_in_dim3A_234, %broadcast_in_dim3A_235 : vector<16xi1>, vector<16xi32>
    %swap3A_237 = arith.constant 176 : index
    %swap3A_238 = tpu.vector_load %arg8[%swap3A_237] {strides = array<i32>} : memref<320xi32, #tpu.memory_space<vmem>>, vector<16xi32>,
    %swap3A_239 = vector.shape_cast %swap3A_238 : vector<16xi32> to vector<16xi32>
    %swap3A_240 = vector.shape_cast %select_n3A_236 : vector<16xi32> to vector<16xi32>
    tpu.vector_store %arg8[%swap3A_237], %swap3A_240 {strides = array<i32>} : memref<320xi32, #tpu.memory_space<vmem>>, vector<16xi32>,
    %get3A_241 = arith.constant 192 : index
    %get3A_242 = tpu.vector_load %arg6[%get3A_241] {strides = array<i32>} : memref<344xi32, #tpu.memory_space<vmem>>, vector<16xi32>,
    %get3A_243 = vector.shape_cast %get3A_242 : vector<16xi32> to vector<16xi32>
    %get3A_244 = arith.constant 193 : index
    %get3A_245 = tpu.vector_load %arg6[%get3A_244] {strides = array<i32>} : memref<344xi32, #tpu.memory_space<vmem>>, vector<16xi32>,
    %get3A_246 = vector.shape_cast %get3A_245 : vector<16xi32> to vector<16xi32>
    %gt3A_247 = arith.cmpi sgt, %get3A_246, %get3A_243 : vector<16xi32>
    %jit3A_248 = arith.constant 1 : i32
    %jit3A_249 = arith.constant 0 : i32
    %broadcast_in_dim3A_250 = vector.broadcast %jit3A_248 : i32 to vector<16xi32>
    %broadcast_in_dim3A_251 = vector.broadcast %jit3A_249 : i32 to vector<16xi32>
    %select_n3A_252 = arith.select %gt3A_247, %broadcast_in_dim3A_250, %broadcast_in_dim3A_251 : vector<16xi1>, vector<16xi32>
    %swap3A_253 = arith.constant 192 : index
    %swap3A_254 = tpu.vector_load %arg8[%swap3A_253] {strides = array<i32>} : memref<320xi32, #tpu.memory_space<vmem>>, vector<16xi32>,
    %swap3A_255 = vector.shape_cast %swap3A_254 : vector<16xi32> to vector<16xi32>
    %swap3A_256 = vector.shape_cast %select_n3A_252 : vector<16xi32> to vector<16xi32>
    tpu.vector_store %arg8[%swap3A_253], %swap3A_256 {strides = array<i32>} : memref<320xi32, #tpu.memory_space<vmem>>, vector<16xi32>,
    %get3A_257 = arith.constant 208 : index
    %get3A_258 = tpu.vector_load %arg6[%get3A_257] {strides = array<i32>} : memref<344xi32, #tpu.memory_space<vmem>>, vector<16xi32>,
    %get3A_259 = vector.shape_cast %get3A_258 : vector<16xi32> to vector<16xi32>
    %get3A_260 = arith.constant 209 : index
    %get3A_261 = tpu.vector_load %arg6[%get3A_260] {strides = array<i32>} : memref<344xi32, #tpu.memory_space<vmem>>, vector<16xi32>,
    %get3A_262 = vector.shape_cast %get3A_261 : vector<16xi32> to vector<16xi32>
    %gt3A_263 = arith.cmpi sgt, %get3A_262, %get3A_259 : vector<16xi32>
    %jit3A_264 = arith.constant 1 : i32
    %jit3A_265 = arith.constant 0 : i32
    %broadcast_in_dim3A_266 = vector.broadcast %jit3A_264 : i32 to vector<16xi32>
    %broadcast_in_dim3A_267 = vector.broadcast %jit3A_265 : i32 to vector<16xi32>
    %select_n3A_268 = arith.select %gt3A_263, %broadcast_in_dim3A_266, %broadcast_in_dim3A_267 : vector<16xi1>, vector<16xi32>
    %swap3A_269 = arith.constant 208 : index
    %swap3A_270 = tpu.vector_load %arg8[%swap3A_269] {strides = array<i32>} : memref<320xi32, #tpu.memory_space<vmem>>, vector<16xi32>,
    %swap3A_271 = vector.shape_cast %swap3A_270 : vector<16xi32> to vector<16xi32>
    %swap3A_272 = vector.shape_cast %select_n3A_268 : vector<16xi32> to vector<16xi32>
    tpu.vector_store %arg8[%swap3A_269], %swap3A_272 {strides = array<i32>} : memref<320xi32, #tpu.memory_space<vmem>>, vector<16xi32>,
    %get3A_273 = arith.constant 224 : index
    %get3A_274 = tpu.vector_load %arg6[%get3A_273] {strides = array<i32>} : memref<344xi32, #tpu.memory_space<vmem>>, vector<16xi32>,
    %get3A_275 = vector.shape_cast %get3A_274 : vector<16xi32> to vector<16xi32>
    %get3A_276 = arith.constant 225 : index
    %get3A_277 = tpu.vector_load %arg6[%get3A_276] {strides = array<i32>} : memref<344xi32, #tpu.memory_space<vmem>>, vector<16xi32>,
    %get3A_278 = vector.shape_cast %get3A_277 : vector<16xi32> to vector<16xi32>
    %gt3A_279 = arith.cmpi sgt, %get3A_278, %get3A_275 : vector<16xi32>
    %jit3A_280 = arith.constant 1 : i32
    %jit3A_281 = arith.constant 0 : i32
    %broadcast_in_dim3A_282 = vector.broadcast %jit3A_280 : i32 to vector<16xi32>
    %broadcast_in_dim3A_283 = vector.broadcast %jit3A_281 : i32 to vector<16xi32>
    %select_n3A_284 = arith.select %gt3A_279, %broadcast_in_dim3A_282, %broadcast_in_dim3A_283 : vector<16xi1>, vector<16xi32>
    %swap3A_285 = arith.constant 224 : index
    %swap3A_286 = tpu.vector_load %arg8[%swap3A_285] {strides = array<i32>} : memref<320xi32, #tpu.memory_space<vmem>>, vector<16xi32>,
    %swap3A_287 = vector.shape_cast %swap3A_286 : vector<16xi32> to vector<16xi32>
    %swap3A_288 = vector.shape_cast %select_n3A_284 : vector<16xi32> to vector<16xi32>
    tpu.vector_store %arg8[%swap3A_285], %swap3A_288 {strides = array<i32>} : memref<320xi32, #tpu.memory_space<vmem>>, vector<16xi32>,
    %get3A_289 = arith.constant 240 : index
    %get3A_290 = tpu.vector_load %arg6[%get3A_289] {strides = array<i32>} : memref<344xi32, #tpu.memory_space<vmem>>, vector<16xi32>,
    %get3A_291 = vector.shape_cast %get3A_290 : vector<16xi32> to vector<16xi32>
    %get3A_292 = arith.constant 241 : index
    %get3A_293 = tpu.vector_load %arg6[%get3A_292] {strides = array<i32>} : memref<344xi32, #tpu.memory_space<vmem>>, vector<16xi32>,
    %get3A_294 = vector.shape_cast %get3A_293 : vector<16xi32> to vector<16xi32>
    %gt3A_295 = arith.cmpi sgt, %get3A_294, %get3A_291 : vector<16xi32>
    %jit3A_296 = arith.constant 1 : i32
    %jit3A_297 = arith.constant 0 : i32
    %broadcast_in_dim3A_298 = vector.broadcast %jit3A_296 : i32 to vector<16xi32>
    %broadcast_in_dim3A_299 = vector.broadcast %jit3A_297 : i32 to vector<16xi32>
    %select_n3A_300 = arith.select %gt3A_295, %broadcast_in_dim3A_298, %broadcast_in_dim3A_299 : vector<16xi1>, vector<16xi32>
    %swap3A_301 = arith.constant 240 : index
    %swap3A_302 = tpu.vector_load %arg8[%swap3A_301] {strides = array<i32>} : memref<320xi32, #tpu.memory_space<vmem>>, vector<16xi32>,
    %swap3A_303 = vector.shape_cast %swap3A_302 : vector<16xi32> to vector<16xi32>
    %swap3A_304 = vector.shape_cast %select_n3A_300 : vector<16xi32> to vector<16xi32>
    tpu.vector_store %arg8[%swap3A_301], %swap3A_304 {strides = array<i32>} : memref<320xi32, #tpu.memory_space<vmem>>, vector<16xi32>,
    %get3A_305 = arith.constant 256 : index
    %get3A_306 = tpu.vector_load %arg6[%get3A_305] {strides = array<i32>} : memref<344xi32, #tpu.memory_space<vmem>>, vector<16xi32>,
    %get3A_307 = vector.shape_cast %get3A_306 : vector<16xi32> to vector<16xi32>
    %get3A_308 = arith.constant 257 : index
    %get3A_309 = tpu.vector_load %arg6[%get3A_308] {strides = array<i32>} : memref<344xi32, #tpu.memory_space<vmem>>, vector<16xi32>,
    %get3A_310 = vector.shape_cast %get3A_309 : vector<16xi32> to vector<16xi32>
    %gt3A_311 = arith.cmpi sgt, %get3A_310, %get3A_307 : vector<16xi32>
    %jit3A_312 = arith.constant 1 : i32
    %jit3A_313 = arith.constant 0 : i32
    %broadcast_in_dim3A_314 = vector.broadcast %jit3A_312 : i32 to vector<16xi32>
    %broadcast_in_dim3A_315 = vector.broadcast %jit3A_313 : i32 to vector<16xi32>
    %select_n3A_316 = arith.select %gt3A_311, %broadcast_in_dim3A_314, %broadcast_in_dim3A_315 : vector<16xi1>, vector<16xi32>
    %swap3A_317 = arith.constant 256 : index
    %swap3A_318 = tpu.vector_load %arg8[%swap3A_317] {strides = array<i32>} : memref<320xi32, #tpu.memory_space<vmem>>, vector<16xi32>,
    %swap3A_319 = vector.shape_cast %swap3A_318 : vector<16xi32> to vector<16xi32>
    %swap3A_320 = vector.shape_cast %select_n3A_316 : vector<16xi32> to vector<16xi32>
    tpu.vector_store %arg8[%swap3A_317], %swap3A_320 {strides = array<i32>} : memref<320xi32, #tpu.memory_space<vmem>>, vector<16xi32>,
    %get3A_321 = arith.constant 272 : index
    %get3A_322 = tpu.vector_load %arg6[%get3A_321] {strides = array<i32>} : memref<344xi32, #tpu.memory_space<vmem>>, vector<16xi32>,
    %get3A_323 = vector.shape_cast %get3A_322 : vector<16xi32> to vector<16xi32>
    %get3A_324 = arith.constant 273 : index
    %get3A_325 = tpu.vector_load %arg6[%get3A_324] {strides = array<i32>} : memref<344xi32, #tpu.memory_space<vmem>>, vector<16xi32>,
    %get3A_326 = vector.shape_cast %get3A_325 : vector<16xi32> to vector<16xi32>
    %gt3A_327 = arith.cmpi sgt, %get3A_326, %get3A_323 : vector<16xi32>
    %jit3A_328 = arith.constant 1 : i32
    %jit3A_329 = arith.constant 0 : i32
    %broadcast_in_dim3A_330 = vector.broadcast %jit3A_328 : i32 to vector<16xi32>
    %broadcast_in_dim3A_331 = vector.broadcast %jit3A_329 : i32 to vector<16xi32>
    %select_n3A_332 = arith.select %gt3A_327, %broadcast_in_dim3A_330, %broadcast_in_dim3A_331 : vector<16xi1>, vector<16xi32>
    %swap3A_333 = arith.constant 272 : index
    %swap3A_334 = tpu.vector_load %arg8[%swap3A_333] {strides = array<i32>} : memref<320xi32, #tpu.memory_space<vmem>>, vector<16xi32>,
    %swap3A_335 = vector.shape_cast %swap3A_334 : vector<16xi32> to vector<16xi32>
    %swap3A_336 = vector.shape_cast %select_n3A_332 : vector<16xi32> to vector<16xi32>
    tpu.vector_store %arg8[%swap3A_333], %swap3A_336 {strides = array<i32>} : memref<320xi32, #tpu.memory_space<vmem>>, vector<16xi32>,
    %get3A_337 = arith.constant 288 : index
    %get3A_338 = tpu.vector_load %arg6[%get3A_337] {strides = array<i32>} : memref<344xi32, #tpu.memory_space<vmem>>, vector<16xi32>,
    %get3A_339 = vector.shape_cast %get3A_338 : vector<16xi32> to vector<16xi32>
    %get3A_340 = arith.constant 289 : index
    %get3A_341 = tpu.vector_load %arg6[%get3A_340] {strides = array<i32>} : memref<344xi32, #tpu.memory_space<vmem>>, vector<16xi32>,
    %get3A_342 = vector.shape_cast %get3A_341 : vector<16xi32> to vector<16xi32>
    %gt3A_343 = arith.cmpi sgt, %get3A_342, %get3A_339 : vector<16xi32>
    %jit3A_344 = arith.constant 1 : i32
    %jit3A_345 = arith.constant 0 : i32
    %broadcast_in_dim3A_346 = vector.broadcast %jit3A_344 : i32 to vector<16xi32>
    %broadcast_in_dim3A_347 = vector.broadcast %jit3A_345 : i32 to vector<16xi32>
    %select_n3A_348 = arith.select %gt3A_343, %broadcast_in_dim3A_346, %broadcast_in_dim3A_347 : vector<16xi1>, vector<16xi32>
    %swap3A_349 = arith.constant 288 : index
    %swap3A_350 = tpu.vector_load %arg8[%swap3A_349] {strides = array<i32>} : memref<320xi32, #tpu.memory_space<vmem>>, vector<16xi32>,
    %swap3A_351 = vector.shape_cast %swap3A_350 : vector<16xi32> to vector<16xi32>
    %swap3A_352 = vector.shape_cast %select_n3A_348 : vector<16xi32> to vector<16xi32>
    tpu.vector_store %arg8[%swap3A_349], %swap3A_352 {strides = array<i32>} : memref<320xi32, #tpu.memory_space<vmem>>, vector<16xi32>,
    %get3A_353 = arith.constant 304 : index
    %get3A_354 = tpu.vector_load %arg6[%get3A_353] {strides = array<i32>} : memref<344xi32, #tpu.memory_space<vmem>>, vector<16xi32>,
    %get3A_355 = vector.shape_cast %get3A_354 : vector<16xi32> to vector<16xi32>
    %get3A_356 = arith.constant 305 : index
    %get3A_357 = tpu.vector_load %arg6[%get3A_356] {strides = array<i32>} : memref<344xi32, #tpu.memory_space<vmem>>, vector<16xi32>,
    %get3A_358 = vector.shape_cast %get3A_357 : vector<16xi32> to vector<16xi32>
    %gt3A_359 = arith.cmpi sgt, %get3A_358, %get3A_355 : vector<16xi32>
    %jit3A_360 = arith.constant 1 : i32
    %jit3A_361 = arith.constant 0 : i32
    %broadcast_in_dim3A_362 = vector.broadcast %jit3A_360 : i32 to vector<16xi32>
    %broadcast_in_dim3A_363 = vector.broadcast %jit3A_361 : i32 to vector<16xi32>
    %select_n3A_364 = arith.select %gt3A_359, %broadcast_in_dim3A_362, %broadcast_in_dim3A_363 : vector<16xi1>, vector<16xi32>
    %swap3A_365 = arith.constant 304 : index
    %swap3A_366 = tpu.vector_load %arg8[%swap3A_365] {strides = array<i32>} : memref<320xi32, #tpu.memory_space<vmem>>, vector<16xi32>,
    %swap3A_367 = vector.shape_cast %swap3A_366 : vector<16xi32> to vector<16xi32>
    %swap3A_368 = vector.shape_cast %select_n3A_364 : vector<16xi32> to vector<16xi32>
    tpu.vector_store %arg8[%swap3A_365], %swap3A_368 {strides = array<i32>} : memref<320xi32, #tpu.memory_space<vmem>>, vector<16xi32>,
    %broadcast_in_dim3A_369 = arith.constant 0xFF800000 : f32
    %broadcast_in_dim3A_370 = vector.broadcast %broadcast_in_dim3A_369 : f32 to vector<16xf32>
    %scan3A_371 = arith.constant -1 : i32
    %scan3A_372 = arith.constant 0 : i32
    %scan3A_373 = arith.constant 320 : i32
    %scan3A_374 = arith.addi %scan3A_372, %scan3A_373 : i32
    %scan3A_375 = arith.constant 1 : i32
    %scan3A_376:2 = scf.for %scan3A_386 = %scan3A_372 to %scan3A_374 step %scan3A_375 iter_args(%scan3A_387 = %scan3A_371, %scan3A_388 = %squeeze3A) -> (i32, i32)  : i32 {
      %add3A_389 = arith.constant 1 : i32
      %add3A_390 = arith.addi %scan3A_386, %add3A_389 : i32
      %get3A_391 = arith.index_cast %add3A_390 : i32 to index
      %get3A_392 = tpu.vector_load %arg6[%get3A_391] {strides = array<i32>} : memref<344xi32, #tpu.memory_space<vmem>>, vector<16xi32>,
      %get3A_393 = vector.shape_cast %get3A_392 : vector<16xi32> to vector<16xi32>
      %slice3A_394 = vector.extract_strided_slice %get3A_393 {offsets = [0], sizes = [1], strides = [1]} : vector<16xi32> to vector<1xi32>
      %squeeze3A_395 = vector.extract %slice3A_394[0] : i32 from vector<1xi32>
      %sub3A_396 = arith.subi %scan3A_388, %mul3A_27 : i32
      %div3A_397 = arith.constant 224 : i32
      %div3A_398 = arith.divsi %sub3A_396, %div3A_397 : i32
      %gt3A_399 = arith.cmpi sgt, %squeeze3A_395, %scan3A_388 : i32
      %sub3A_400 = arith.constant 1 : i32
      %sub3A_401 = arith.subi %squeeze3A_395, %sub3A_400 : i32
      %sub3A_402 = arith.subi %sub3A_401, %mul3A_27 : i32
      %div3A_403 = arith.constant 224 : i32
      %div3A_404 = arith.divsi %sub3A_402, %div3A_403 : i32
      %sub3A_405 = arith.constant 1 : i32
      %sub3A_406 = arith.subi %div3A_398, %sub3A_405 : i32
      %select_n3A_407 = arith.select %gt3A_399, %div3A_404, %sub3A_406 : i32
      %add3A_408 = arith.constant 1 : i32
      %add3A_409 = arith.addi %select_n3A_407, %add3A_408 : i32
      %while3A = arith.subi %add3A_409, %div3A_398 : i32
      %while3A_410 = arith.addi %div3A_398, %while3A : i32
      %while3A_411 = arith.constant 1 : i32
      %while3A_412 = arith.divsi %while3A, %while3A_411 : i32
      %while3A_413 = arith.muli %while3A_412, %while3A_411 : i32
      %while3A_414 = arith.addi %div3A_398, %while3A_413 : i32
      %while3A_415 = arith.constant 1 : i32
      %while3A_416:9 = scf.for %while3A_423 = %div3A_398 to %while3A_414 step %while3A_415 iter_args(%while3A_424 = %scan3A_387, %while3A_425 = %broadcast_in_dim3A_370, %while3A_426 = %broadcast_in_dim3A_370, %while3A_427 = %broadcast_in_dim3A_370, %while3A_428 = %broadcast_in_dim3A_370, %while3A_429 = %broadcast_in_dim3A_370, %while3A_430 = %broadcast_in_dim3A_370, %while3A_431 = %broadcast_in_dim3A_370, %while3A_432 = %broadcast_in_dim3A_370) -> (i32, vector<16xf32>, vector<16xf32>, vector<16xf32>, vector<16xf32>, vector<16xf32>, vector<16xf32>, vector<16xf32>, vector<16xf32>)  : i32 {
        %gt3A_433 = arith.cmpi sgt, %while3A_423, %while3A_424 : i32
        %convert_element_type3A_434 = arith.extui %gt3A_433 : i1 to i32
        %cond3A_435 = arith.constant 0 : i32
        %cond3A_436 = arith.constant 0 : i32
        %cond3A_437 = arith.cmpi ne, %convert_element_type3A_434, %cond3A_436 : i32
        %cond3A_438 = scf.if %cond3A_437 -> (i32) {
          %rem3A_469 = arith.constant 3 : i32
          %rem3A_470 = arith.remsi %while3A_423, %rem3A_469 : i32
          %eq3A_471 = arith.constant 0 : i32
          %eq3A_472 = arith.cmpi eq, %rem3A_470, %eq3A_471 : i32
          %convert_element_type3A_473 = arith.extui %eq3A_472 : i1 to i32
          %cond3A_474 = arith.constant 0 : i32
          %cond3A_475 = arith.cmpi ne, %convert_element_type3A_473, %cond3A_474 : i32
          scf.if %cond3A_475 {
            %dma_wait3A = arith.constant 0 : i32
            %dma_wait3A_492 = tpu.memref_slice %arg9[%dma_wait3A] : memref<86016xf32, #tpu.memory_space<vmem>> -> memref<28672xf32, #tpu.memory_space<vmem>>
            %dma_wait3A_493 = arith.constant 0 : i32
            %dma_wait3A_494 = tpu.memref_slice %arg2[%dma_wait3A_493] : memref<40960000xf32, #tpu.memory_space<hbm>> -> memref<28672xf32, #tpu.memory_space<hbm>>
            %dma_wait3A_495 = arith.constant 0 : i32
            %dma_wait3A_496 = tpu.memref_slice %arg9[%dma_wait3A_495] : memref<86016xf32, #tpu.memory_space<vmem>> -> memref<28672xf32, #tpu.memory_space<vmem>>
            %dma_wait3A_497 = arith.constant 0 : i32
            %dma_wait3A_498 = tpu.memref_slice %arg2[%dma_wait3A_497] : memref<40960000xf32, #tpu.memory_space<hbm>> -> memref<28672xf32, #tpu.memory_space<hbm>>
            tpu.wait_dma2 semaphore(%arg10 : memref<!tpu.dma_semaphore, #tpu.memory_space<semaphore_mem>>) src(%dma_wait3A_498 : memref<28672xf32, #tpu.memory_space<hbm>>) dst(%dma_wait3A_496 : memref<28672xf32, #tpu.memory_space<vmem>>)
          } else {
          }
          %eq3A_476 = arith.constant 1 : i32
          %eq3A_477 = arith.cmpi eq, %rem3A_470, %eq3A_476 : i32
          %convert_element_type3A_478 = arith.extui %eq3A_477 : i1 to i32
          %cond3A_479 = arith.constant 0 : i32
          %cond3A_480 = arith.cmpi ne, %convert_element_type3A_478, %cond3A_479 : i32
          scf.if %cond3A_480 {
            %dma_wait3A = arith.constant 28672 : i32
            %dma_wait3A_492 = tpu.memref_slice %arg9[%dma_wait3A] : memref<86016xf32, #tpu.memory_space<vmem>> -> memref<28672xf32, #tpu.memory_space<vmem>>
            %dma_wait3A_493 = arith.constant 0 : i32
            %dma_wait3A_494 = tpu.memref_slice %arg2[%dma_wait3A_493] : memref<40960000xf32, #tpu.memory_space<hbm>> -> memref<28672xf32, #tpu.memory_space<hbm>>
            %dma_wait3A_495 = arith.constant 28672 : i32
            %dma_wait3A_496 = tpu.memref_slice %arg9[%dma_wait3A_495] : memref<86016xf32, #tpu.memory_space<vmem>> -> memref<28672xf32, #tpu.memory_space<vmem>>
            %dma_wait3A_497 = arith.constant 0 : i32
            %dma_wait3A_498 = tpu.memref_slice %arg2[%dma_wait3A_497] : memref<40960000xf32, #tpu.memory_space<hbm>> -> memref<28672xf32, #tpu.memory_space<hbm>>
            tpu.wait_dma2 semaphore(%arg11 : memref<!tpu.dma_semaphore, #tpu.memory_space<semaphore_mem>>) src(%dma_wait3A_498 : memref<28672xf32, #tpu.memory_space<hbm>>) dst(%dma_wait3A_496 : memref<28672xf32, #tpu.memory_space<vmem>>)
          } else {
          }
          %eq3A_481 = arith.constant 2 : i32
          %eq3A_482 = arith.cmpi eq, %rem3A_470, %eq3A_481 : i32
          %convert_element_type3A_483 = arith.extui %eq3A_482 : i1 to i32
          %cond3A_484 = arith.constant 0 : i32
          %cond3A_485 = arith.cmpi ne, %convert_element_type3A_483, %cond3A_484 : i32
          scf.if %cond3A_485 {
            %dma_wait3A = arith.constant 57344 : i32
            %dma_wait3A_492 = tpu.memref_slice %arg9[%dma_wait3A] : memref<86016xf32, #tpu.memory_space<vmem>> -> memref<28672xf32, #tpu.memory_space<vmem>>
            %dma_wait3A_493 = arith.constant 0 : i32
            %dma_wait3A_494 = tpu.memref_slice %arg2[%dma_wait3A_493] : memref<40960000xf32, #tpu.memory_space<hbm>> -> memref<28672xf32, #tpu.memory_space<hbm>>
            %dma_wait3A_495 = arith.constant 57344 : i32
            %dma_wait3A_496 = tpu.memref_slice %arg9[%dma_wait3A_495] : memref<86016xf32, #tpu.memory_space<vmem>> -> memref<28672xf32, #tpu.memory_space<vmem>>
            %dma_wait3A_497 = arith.constant 0 : i32
            %dma_wait3A_498 = tpu.memref_slice %arg2[%dma_wait3A_497] : memref<40960000xf32, #tpu.memory_space<hbm>> -> memref<28672xf32, #tpu.memory_space<hbm>>
            tpu.wait_dma2 semaphore(%arg12 : memref<!tpu.dma_semaphore, #tpu.memory_space<semaphore_mem>>) src(%dma_wait3A_498 : memref<28672xf32, #tpu.memory_space<hbm>>) dst(%dma_wait3A_496 : memref<28672xf32, #tpu.memory_space<vmem>>)
          } else {
          }
          %add3A_486 = arith.constant 2 : i32
          %add3A_487 = arith.addi %while3A_423, %add3A_486 : i32
          %lt3A_488 = arith.cmpi slt, %add3A_487, %select_n3A_34 : i32
          %convert_element_type3A_489 = arith.extui %lt3A_488 : i1 to i32
          %cond3A_490 = arith.constant 0 : i32
          %cond3A_491 = arith.cmpi ne, %convert_element_type3A_489, %cond3A_490 : i32
          scf.if %cond3A_491 {
            %rem3A_492 = arith.constant 3 : i32
            %rem3A_493 = arith.remsi %add3A_487, %rem3A_492 : i32
            %eq3A_494 = arith.constant 0 : i32
            %eq3A_495 = arith.cmpi eq, %rem3A_493, %eq3A_494 : i32
            %convert_element_type3A_496 = arith.extui %eq3A_495 : i1 to i32
            %cond3A_497 = arith.constant 0 : i32
            %cond3A_498 = arith.cmpi ne, %convert_element_type3A_496, %cond3A_497 : i32
            scf.if %cond3A_498 {
              %mul3A_509 = arith.constant 224 : i32
              %mul3A_510 = arith.muli %add3A_487, %mul3A_509 : i32
              %add3A_511 = arith.addi %mul3A_27, %mul3A_510 : i32
              %min3A_512 = arith.constant 319776 : i32
              %min3A_513 = arith.minsi %add3A_511, %min3A_512 : i32
              %multiple_of3A = tpu.assume_multiple %min3A_513, 8 : i32
              %mul3A_514 = arith.constant 128 : i32
              %mul3A_515 = arith.muli %multiple_of3A, %mul3A_514 : i32
              %dma_start3A = arith.constant 0 : i32
              %dma_start3A_516 = tpu.memref_slice %arg9[%dma_start3A] : memref<86016xf32, #tpu.memory_space<vmem>> -> memref<28672xf32, #tpu.memory_space<vmem>>
              %dma_start3A_517 = tpu.memref_slice %arg2[%mul3A_515] : memref<40960000xf32, #tpu.memory_space<hbm>> -> memref<28672xf32, #tpu.memory_space<hbm>>
              %dma_start3A_518 = arith.constant 0 : i32
              %dma_start3A_519 = tpu.memref_slice %arg9[%dma_start3A_518] : memref<86016xf32, #tpu.memory_space<vmem>> -> memref<28672xf32, #tpu.memory_space<vmem>>
              %dma_start3A_520 = tpu.memref_slice %arg2[%mul3A_515] : memref<40960000xf32, #tpu.memory_space<hbm>> -> memref<28672xf32, #tpu.memory_space<hbm>>
              tpu.enqueue_dma source(%dma_start3A_520 : memref<28672xf32, #tpu.memory_space<hbm>>) target(%dma_start3A_519 : memref<28672xf32, #tpu.memory_space<vmem>>) target_semaphore(%arg10 : memref<!tpu.dma_semaphore, #tpu.memory_space<semaphore_mem>>)
            } else {
            }
            %eq3A_499 = arith.constant 1 : i32
            %eq3A_500 = arith.cmpi eq, %rem3A_493, %eq3A_499 : i32
            %convert_element_type3A_501 = arith.extui %eq3A_500 : i1 to i32
            %cond3A_502 = arith.constant 0 : i32
            %cond3A_503 = arith.cmpi ne, %convert_element_type3A_501, %cond3A_502 : i32
            scf.if %cond3A_503 {
              %mul3A_509 = arith.constant 224 : i32
              %mul3A_510 = arith.muli %add3A_487, %mul3A_509 : i32
              %add3A_511 = arith.addi %mul3A_27, %mul3A_510 : i32
              %min3A_512 = arith.constant 319776 : i32
              %min3A_513 = arith.minsi %add3A_511, %min3A_512 : i32
              %multiple_of3A = tpu.assume_multiple %min3A_513, 8 : i32
              %mul3A_514 = arith.constant 128 : i32
              %mul3A_515 = arith.muli %multiple_of3A, %mul3A_514 : i32
              %dma_start3A = arith.constant 28672 : i32
              %dma_start3A_516 = tpu.memref_slice %arg9[%dma_start3A] : memref<86016xf32, #tpu.memory_space<vmem>> -> memref<28672xf32, #tpu.memory_space<vmem>>
              %dma_start3A_517 = tpu.memref_slice %arg2[%mul3A_515] : memref<40960000xf32, #tpu.memory_space<hbm>> -> memref<28672xf32, #tpu.memory_space<hbm>>
              %dma_start3A_518 = arith.constant 28672 : i32
              %dma_start3A_519 = tpu.memref_slice %arg9[%dma_start3A_518] : memref<86016xf32, #tpu.memory_space<vmem>> -> memref<28672xf32, #tpu.memory_space<vmem>>
              %dma_start3A_520 = tpu.memref_slice %arg2[%mul3A_515] : memref<40960000xf32, #tpu.memory_space<hbm>> -> memref<28672xf32, #tpu.memory_space<hbm>>
              tpu.enqueue_dma source(%dma_start3A_520 : memref<28672xf32, #tpu.memory_space<hbm>>) target(%dma_start3A_519 : memref<28672xf32, #tpu.memory_space<vmem>>) target_semaphore(%arg11 : memref<!tpu.dma_semaphore, #tpu.memory_space<semaphore_mem>>)
            } else {
            }
            %eq3A_504 = arith.constant 2 : i32
            %eq3A_505 = arith.cmpi eq, %rem3A_493, %eq3A_504 : i32
            %convert_element_type3A_506 = arith.extui %eq3A_505 : i1 to i32
            %cond3A_507 = arith.constant 0 : i32
            %cond3A_508 = arith.cmpi ne, %convert_element_type3A_506, %cond3A_507 : i32
            scf.if %cond3A_508 {
              %mul3A_509 = arith.constant 224 : i32
              %mul3A_510 = arith.muli %add3A_487, %mul3A_509 : i32
              %add3A_511 = arith.addi %mul3A_27, %mul3A_510 : i32
              %min3A_512 = arith.constant 319776 : i32
              %min3A_513 = arith.minsi %add3A_511, %min3A_512 : i32
              %multiple_of3A = tpu.assume_multiple %min3A_513, 8 : i32
              %mul3A_514 = arith.constant 128 : i32
              %mul3A_515 = arith.muli %multiple_of3A, %mul3A_514 : i32
              %dma_start3A = arith.constant 57344 : i32
              %dma_start3A_516 = tpu.memref_slice %arg9[%dma_start3A] : memref<86016xf32, #tpu.memory_space<vmem>> -> memref<28672xf32, #tpu.memory_space<vmem>>
              %dma_start3A_517 = tpu.memref_slice %arg2[%mul3A_515] : memref<40960000xf32, #tpu.memory_space<hbm>> -> memref<28672xf32, #tpu.memory_space<hbm>>
              %dma_start3A_518 = arith.constant 57344 : i32
              %dma_start3A_519 = tpu.memref_slice %arg9[%dma_start3A_518] : memref<86016xf32, #tpu.memory_space<vmem>> -> memref<28672xf32, #tpu.memory_space<vmem>>
              %dma_start3A_520 = tpu.memref_slice %arg2[%mul3A_515] : memref<40960000xf32, #tpu.memory_space<hbm>> -> memref<28672xf32, #tpu.memory_space<hbm>>
              tpu.enqueue_dma source(%dma_start3A_520 : memref<28672xf32, #tpu.memory_space<hbm>>) target(%dma_start3A_519 : memref<28672xf32, #tpu.memory_space<vmem>>) target_semaphore(%arg12 : memref<!tpu.dma_semaphore, #tpu.memory_space<semaphore_mem>>)
            } else {
            }
          } else {
          }
          scf.yield %while3A_423 : i32
        } else {
          scf.yield %while3A_424 : i32
        }
        %mul3A_439 = arith.constant 224 : i32
        %mul3A_440 = arith.muli %while3A_423, %mul3A_439 : i32
        %add3A_441 = arith.addi %mul3A_27, %mul3A_440 : i32
        %min3A = arith.constant 319776 : i32
        %min3A_442 = arith.minsi %add3A_441, %min3A : i32
        %rem3A_443 = arith.constant 3 : i32
        %rem3A_444 = arith.remsi %while3A_423, %rem3A_443 : i32
        %mul3A_445 = arith.constant 224 : i32
        %mul3A_446 = arith.muli %rem3A_444, %mul3A_445 : i32
        %sub3A_447 = arith.subi %mul3A_446, %min3A_442 : i32
        %mul3A_448 = arith.constant 128 : i32
        %mul3A_449 = arith.muli %sub3A_447, %mul3A_448 : i32
        %mul3A_450 = arith.constant 224 : i32
        %mul3A_451 = arith.muli %while3A_423, %mul3A_450 : i32
        %add3A_452 = arith.addi %mul3A_27, %mul3A_451 : i32
        %max3A = arith.maxsi %scan3A_388, %add3A_452 : i32
        %add3A_453 = arith.constant 1 : i32
        %add3A_454 = arith.addi %while3A_423, %add3A_453 : i32
        %mul3A_455 = arith.constant 224 : i32
        %mul3A_456 = arith.muli %add3A_454, %mul3A_455 : i32
        %add3A_457 = arith.addi %mul3A_27, %mul3A_456 : i32
        %min3A_458 = arith.minsi %squeeze3A_395, %add3A_457 : i32
        %while3A_459 = arith.subi %min3A_458, %max3A : i32
        %while3A_460 = arith.addi %max3A, %while3A_459 : i32
        %while3A_461 = arith.constant 1 : i32
        %while3A_462 = arith.divsi %while3A_459, %while3A_461 : i32
        %while3A_463 = arith.muli %while3A_462, %while3A_461 : i32
        %while3A_464 = arith.addi %max3A, %while3A_463 : i32
        %while3A_465 = arith.constant 1 : i32
        %while3A_466:8 = scf.for %while3A_469 = %max3A to %while3A_464 step %while3A_465 iter_args(%while3A_470 = %while3A_425, %while3A_471 = %while3A_426, %while3A_472 = %while3A_427, %while3A_473 = %while3A_428, %while3A_474 = %while3A_429, %while3A_475 = %while3A_430, %while3A_476 = %while3A_431, %while3A_477 = %while3A_432) -> (vector<16xf32>, vector<16xf32>, vector<16xf32>, vector<16xf32>, vector<16xf32>, vector<16xf32>, vector<16xf32>, vector<16xf32>)  : i32 {
          %mul3A_478 = arith.constant 128 : i32
          %mul3A_479 = arith.muli %while3A_469, %mul3A_478 : i32
          %add3A_480 = arith.addi %mul3A_449, %mul3A_479 : i32
          %add3A_481 = arith.constant 0 : i32
          %add3A_482 = arith.addi %add3A_480, %add3A_481 : i32
          %get3A_483 = arith.index_cast %add3A_482 : i32 to index
          %get3A_484 = tpu.vector_load %arg9[%get3A_483] {strides = array<i32>} : memref<86016xf32, #tpu.memory_space<vmem>>, vector<16xf32>,
          %get3A_485 = vector.shape_cast %get3A_484 : vector<16xf32> to vector<16xf32>
          %max3A_486 = arith.maximumf %while3A_470, %get3A_485 : vector<16xf32>
          %add3A_487 = arith.constant 16 : i32
          %add3A_488 = arith.addi %add3A_480, %add3A_487 : i32
          %get3A_489 = arith.index_cast %add3A_488 : i32 to index
          %get3A_490 = tpu.vector_load %arg9[%get3A_489] {strides = array<i32>} : memref<86016xf32, #tpu.memory_space<vmem>>, vector<16xf32>,
          %get3A_491 = vector.shape_cast %get3A_490 : vector<16xf32> to vector<16xf32>
          %max3A_492 = arith.maximumf %while3A_471, %get3A_491 : vector<16xf32>
          %add3A_493 = arith.constant 32 : i32
          %add3A_494 = arith.addi %add3A_480, %add3A_493 : i32
          %get3A_495 = arith.index_cast %add3A_494 : i32 to index
          %get3A_496 = tpu.vector_load %arg9[%get3A_495] {strides = array<i32>} : memref<86016xf32, #tpu.memory_space<vmem>>, vector<16xf32>,
          %get3A_497 = vector.shape_cast %get3A_496 : vector<16xf32> to vector<16xf32>
          %max3A_498 = arith.maximumf %while3A_472, %get3A_497 : vector<16xf32>
          %add3A_499 = arith.constant 48 : i32
          %add3A_500 = arith.addi %add3A_480, %add3A_499 : i32
          %get3A_501 = arith.index_cast %add3A_500 : i32 to index
          %get3A_502 = tpu.vector_load %arg9[%get3A_501] {strides = array<i32>} : memref<86016xf32, #tpu.memory_space<vmem>>, vector<16xf32>,
          %get3A_503 = vector.shape_cast %get3A_502 : vector<16xf32> to vector<16xf32>
          %max3A_504 = arith.maximumf %while3A_473, %get3A_503 : vector<16xf32>
          %add3A_505 = arith.constant 64 : i32
          %add3A_506 = arith.addi %add3A_480, %add3A_505 : i32
          %get3A_507 = arith.index_cast %add3A_506 : i32 to index
          %get3A_508 = tpu.vector_load %arg9[%get3A_507] {strides = array<i32>} : memref<86016xf32, #tpu.memory_space<vmem>>, vector<16xf32>,
          %get3A_509 = vector.shape_cast %get3A_508 : vector<16xf32> to vector<16xf32>
          %max3A_510 = arith.maximumf %while3A_474, %get3A_509 : vector<16xf32>
          %add3A_511 = arith.constant 80 : i32
          %add3A_512 = arith.addi %add3A_480, %add3A_511 : i32
          %get3A_513 = arith.index_cast %add3A_512 : i32 to index
          %get3A_514 = tpu.vector_load %arg9[%get3A_513] {strides = array<i32>} : memref<86016xf32, #tpu.memory_space<vmem>>, vector<16xf32>,
          %get3A_515 = vector.shape_cast %get3A_514 : vector<16xf32> to vector<16xf32>
          %max3A_516 = arith.maximumf %while3A_475, %get3A_515 : vector<16xf32>
          %add3A_517 = arith.constant 96 : i32
          %add3A_518 = arith.addi %add3A_480, %add3A_517 : i32
          %get3A_519 = arith.index_cast %add3A_518 : i32 to index
          %get3A_520 = tpu.vector_load %arg9[%get3A_519] {strides = array<i32>} : memref<86016xf32, #tpu.memory_space<vmem>>, vector<16xf32>,
          %get3A_521 = vector.shape_cast %get3A_520 : vector<16xf32> to vector<16xf32>
          %max3A_522 = arith.maximumf %while3A_476, %get3A_521 : vector<16xf32>
          %add3A_523 = arith.constant 112 : i32
          %add3A_524 = arith.addi %add3A_480, %add3A_523 : i32
          %get3A_525 = arith.index_cast %add3A_524 : i32 to index
          %get3A_526 = tpu.vector_load %arg9[%get3A_525] {strides = array<i32>} : memref<86016xf32, #tpu.memory_space<vmem>>, vector<16xf32>,
          %get3A_527 = vector.shape_cast %get3A_526 : vector<16xf32> to vector<16xf32>
          %max3A_528 = arith.maximumf %while3A_477, %get3A_527 : vector<16xf32>
          scf.yield %max3A_486, %max3A_492, %max3A_498, %max3A_504, %max3A_510, %max3A_516, %max3A_522, %max3A_528 : vector<16xf32>, vector<16xf32>, vector<16xf32>, vector<16xf32>, vector<16xf32>, vector<16xf32>, vector<16xf32>, vector<16xf32>
        }
        %while3A_467 = arith.constant 1 : i32
        %while3A_468:8 = scf.for %while3A_469 = %while3A_464 to %while3A_460 step %while3A_467 iter_args(%while3A_470 = %while3A_466#0, %while3A_471 = %while3A_466#1, %while3A_472 = %while3A_466#2, %while3A_473 = %while3A_466#3, %while3A_474 = %while3A_466#4, %while3A_475 = %while3A_466#5, %while3A_476 = %while3A_466#6, %while3A_477 = %while3A_466#7) -> (vector<16xf32>, vector<16xf32>, vector<16xf32>, vector<16xf32>, vector<16xf32>, vector<16xf32>, vector<16xf32>, vector<16xf32>)  : i32 {
          %mul3A_478 = arith.constant 128 : i32
          %mul3A_479 = arith.muli %while3A_469, %mul3A_478 : i32
          %add3A_480 = arith.addi %mul3A_449, %mul3A_479 : i32
          %add3A_481 = arith.constant 0 : i32
          %add3A_482 = arith.addi %add3A_480, %add3A_481 : i32
          %get3A_483 = arith.index_cast %add3A_482 : i32 to index
          %get3A_484 = tpu.vector_load %arg9[%get3A_483] {strides = array<i32>} : memref<86016xf32, #tpu.memory_space<vmem>>, vector<16xf32>,
          %get3A_485 = vector.shape_cast %get3A_484 : vector<16xf32> to vector<16xf32>
          %max3A_486 = arith.maximumf %while3A_470, %get3A_485 : vector<16xf32>
          %add3A_487 = arith.constant 16 : i32
          %add3A_488 = arith.addi %add3A_480, %add3A_487 : i32
          %get3A_489 = arith.index_cast %add3A_488 : i32 to index
          %get3A_490 = tpu.vector_load %arg9[%get3A_489] {strides = array<i32>} : memref<86016xf32, #tpu.memory_space<vmem>>, vector<16xf32>,
          %get3A_491 = vector.shape_cast %get3A_490 : vector<16xf32> to vector<16xf32>
          %max3A_492 = arith.maximumf %while3A_471, %get3A_491 : vector<16xf32>
          %add3A_493 = arith.constant 32 : i32
          %add3A_494 = arith.addi %add3A_480, %add3A_493 : i32
          %get3A_495 = arith.index_cast %add3A_494 : i32 to index
          %get3A_496 = tpu.vector_load %arg9[%get3A_495] {strides = array<i32>} : memref<86016xf32, #tpu.memory_space<vmem>>, vector<16xf32>,
          %get3A_497 = vector.shape_cast %get3A_496 : vector<16xf32> to vector<16xf32>
          %max3A_498 = arith.maximumf %while3A_472, %get3A_497 : vector<16xf32>
          %add3A_499 = arith.constant 48 : i32
          %add3A_500 = arith.addi %add3A_480, %add3A_499 : i32
          %get3A_501 = arith.index_cast %add3A_500 : i32 to index
          %get3A_502 = tpu.vector_load %arg9[%get3A_501] {strides = array<i32>} : memref<86016xf32, #tpu.memory_space<vmem>>, vector<16xf32>,
          %get3A_503 = vector.shape_cast %get3A_502 : vector<16xf32> to vector<16xf32>
          %max3A_504 = arith.maximumf %while3A_473, %get3A_503 : vector<16xf32>
          %add3A_505 = arith.constant 64 : i32
          %add3A_506 = arith.addi %add3A_480, %add3A_505 : i32
          %get3A_507 = arith.index_cast %add3A_506 : i32 to index
          %get3A_508 = tpu.vector_load %arg9[%get3A_507] {strides = array<i32>} : memref<86016xf32, #tpu.memory_space<vmem>>, vector<16xf32>,
          %get3A_509 = vector.shape_cast %get3A_508 : vector<16xf32> to vector<16xf32>
          %max3A_510 = arith.maximumf %while3A_474, %get3A_509 : vector<16xf32>
          %add3A_511 = arith.constant 80 : i32
          %add3A_512 = arith.addi %add3A_480, %add3A_511 : i32
          %get3A_513 = arith.index_cast %add3A_512 : i32 to index
          %get3A_514 = tpu.vector_load %arg9[%get3A_513] {strides = array<i32>} : memref<86016xf32, #tpu.memory_space<vmem>>, vector<16xf32>,
          %get3A_515 = vector.shape_cast %get3A_514 : vector<16xf32> to vector<16xf32>
          %max3A_516 = arith.maximumf %while3A_475, %get3A_515 : vector<16xf32>
          %add3A_517 = arith.constant 96 : i32
          %add3A_518 = arith.addi %add3A_480, %add3A_517 : i32
          %get3A_519 = arith.index_cast %add3A_518 : i32 to index
          %get3A_520 = tpu.vector_load %arg9[%get3A_519] {strides = array<i32>} : memref<86016xf32, #tpu.memory_space<vmem>>, vector<16xf32>,
          %get3A_521 = vector.shape_cast %get3A_520 : vector<16xf32> to vector<16xf32>
          %max3A_522 = arith.maximumf %while3A_476, %get3A_521 : vector<16xf32>
          %add3A_523 = arith.constant 112 : i32
          %add3A_524 = arith.addi %add3A_480, %add3A_523 : i32
          %get3A_525 = arith.index_cast %add3A_524 : i32 to index
          %get3A_526 = tpu.vector_load %arg9[%get3A_525] {strides = array<i32>} : memref<86016xf32, #tpu.memory_space<vmem>>, vector<16xf32>,
          %get3A_527 = vector.shape_cast %get3A_526 : vector<16xf32> to vector<16xf32>
          %max3A_528 = arith.maximumf %while3A_477, %get3A_527 : vector<16xf32>
          scf.yield %max3A_486, %max3A_492, %max3A_498, %max3A_504, %max3A_510, %max3A_516, %max3A_522, %max3A_528 : vector<16xf32>, vector<16xf32>, vector<16xf32>, vector<16xf32>, vector<16xf32>, vector<16xf32>, vector<16xf32>, vector<16xf32>
        }
        scf.yield %cond3A_438, %while3A_468#0, %while3A_468#1, %while3A_468#2, %while3A_468#3, %while3A_468#4, %while3A_468#5, %while3A_468#6, %while3A_468#7 : i32, vector<16xf32>, vector<16xf32>, vector<16xf32>, vector<16xf32>, vector<16xf32>, vector<16xf32>, vector<16xf32>, vector<16xf32>
      }
      %while3A_417 = arith.constant 1 : i32
      %while3A_418:9 = scf.for %while3A_423 = %while3A_414 to %while3A_410 step %while3A_417 iter_args(%while3A_424 = %while3A_416#0, %while3A_425 = %while3A_416#1, %while3A_426 = %while3A_416#2, %while3A_427 = %while3A_416#3, %while3A_428 = %while3A_416#4, %while3A_429 = %while3A_416#5, %while3A_430 = %while3A_416#6, %while3A_431 = %while3A_416#7, %while3A_432 = %while3A_416#8) -> (i32, vector<16xf32>, vector<16xf32>, vector<16xf32>, vector<16xf32>, vector<16xf32>, vector<16xf32>, vector<16xf32>, vector<16xf32>)  : i32 {
        %gt3A_433 = arith.cmpi sgt, %while3A_423, %while3A_424 : i32
        %convert_element_type3A_434 = arith.extui %gt3A_433 : i1 to i32
        %cond3A_435 = arith.constant 0 : i32
        %cond3A_436 = arith.constant 0 : i32
        %cond3A_437 = arith.cmpi ne, %convert_element_type3A_434, %cond3A_436 : i32
        %cond3A_438 = scf.if %cond3A_437 -> (i32) {
          %rem3A_469 = arith.constant 3 : i32
          %rem3A_470 = arith.remsi %while3A_423, %rem3A_469 : i32
          %eq3A_471 = arith.constant 0 : i32
          %eq3A_472 = arith.cmpi eq, %rem3A_470, %eq3A_471 : i32
          %convert_element_type3A_473 = arith.extui %eq3A_472 : i1 to i32
          %cond3A_474 = arith.constant 0 : i32
          %cond3A_475 = arith.cmpi ne, %convert_element_type3A_473, %cond3A_474 : i32
          scf.if %cond3A_475 {
            %dma_wait3A = arith.constant 0 : i32
            %dma_wait3A_492 = tpu.memref_slice %arg9[%dma_wait3A] : memref<86016xf32, #tpu.memory_space<vmem>> -> memref<28672xf32, #tpu.memory_space<vmem>>
            %dma_wait3A_493 = arith.constant 0 : i32
            %dma_wait3A_494 = tpu.memref_slice %arg2[%dma_wait3A_493] : memref<40960000xf32, #tpu.memory_space<hbm>> -> memref<28672xf32, #tpu.memory_space<hbm>>
            %dma_wait3A_495 = arith.constant 0 : i32
            %dma_wait3A_496 = tpu.memref_slice %arg9[%dma_wait3A_495] : memref<86016xf32, #tpu.memory_space<vmem>> -> memref<28672xf32, #tpu.memory_space<vmem>>
            %dma_wait3A_497 = arith.constant 0 : i32
            %dma_wait3A_498 = tpu.memref_slice %arg2[%dma_wait3A_497] : memref<40960000xf32, #tpu.memory_space<hbm>> -> memref<28672xf32, #tpu.memory_space<hbm>>
            tpu.wait_dma2 semaphore(%arg10 : memref<!tpu.dma_semaphore, #tpu.memory_space<semaphore_mem>>) src(%dma_wait3A_498 : memref<28672xf32, #tpu.memory_space<hbm>>) dst(%dma_wait3A_496 : memref<28672xf32, #tpu.memory_space<vmem>>)
          } else {
          }
          %eq3A_476 = arith.constant 1 : i32
          %eq3A_477 = arith.cmpi eq, %rem3A_470, %eq3A_476 : i32
          %convert_element_type3A_478 = arith.extui %eq3A_477 : i1 to i32
          %cond3A_479 = arith.constant 0 : i32
          %cond3A_480 = arith.cmpi ne, %convert_element_type3A_478, %cond3A_479 : i32
          scf.if %cond3A_480 {
            %dma_wait3A = arith.constant 28672 : i32
            %dma_wait3A_492 = tpu.memref_slice %arg9[%dma_wait3A] : memref<86016xf32, #tpu.memory_space<vmem>> -> memref<28672xf32, #tpu.memory_space<vmem>>
            %dma_wait3A_493 = arith.constant 0 : i32
            %dma_wait3A_494 = tpu.memref_slice %arg2[%dma_wait3A_493] : memref<40960000xf32, #tpu.memory_space<hbm>> -> memref<28672xf32, #tpu.memory_space<hbm>>
            %dma_wait3A_495 = arith.constant 28672 : i32
            %dma_wait3A_496 = tpu.memref_slice %arg9[%dma_wait3A_495] : memref<86016xf32, #tpu.memory_space<vmem>> -> memref<28672xf32, #tpu.memory_space<vmem>>
            %dma_wait3A_497 = arith.constant 0 : i32
            %dma_wait3A_498 = tpu.memref_slice %arg2[%dma_wait3A_497] : memref<40960000xf32, #tpu.memory_space<hbm>> -> memref<28672xf32, #tpu.memory_space<hbm>>
            tpu.wait_dma2 semaphore(%arg11 : memref<!tpu.dma_semaphore, #tpu.memory_space<semaphore_mem>>) src(%dma_wait3A_498 : memref<28672xf32, #tpu.memory_space<hbm>>) dst(%dma_wait3A_496 : memref<28672xf32, #tpu.memory_space<vmem>>)
          } else {
          }
          %eq3A_481 = arith.constant 2 : i32
          %eq3A_482 = arith.cmpi eq, %rem3A_470, %eq3A_481 : i32
          %convert_element_type3A_483 = arith.extui %eq3A_482 : i1 to i32
          %cond3A_484 = arith.constant 0 : i32
          %cond3A_485 = arith.cmpi ne, %convert_element_type3A_483, %cond3A_484 : i32
          scf.if %cond3A_485 {
            %dma_wait3A = arith.constant 57344 : i32
            %dma_wait3A_492 = tpu.memref_slice %arg9[%dma_wait3A] : memref<86016xf32, #tpu.memory_space<vmem>> -> memref<28672xf32, #tpu.memory_space<vmem>>
            %dma_wait3A_493 = arith.constant 0 : i32
            %dma_wait3A_494 = tpu.memref_slice %arg2[%dma_wait3A_493] : memref<40960000xf32, #tpu.memory_space<hbm>> -> memref<28672xf32, #tpu.memory_space<hbm>>
            %dma_wait3A_495 = arith.constant 57344 : i32
            %dma_wait3A_496 = tpu.memref_slice %arg9[%dma_wait3A_495] : memref<86016xf32, #tpu.memory_space<vmem>> -> memref<28672xf32, #tpu.memory_space<vmem>>
            %dma_wait3A_497 = arith.constant 0 : i32
            %dma_wait3A_498 = tpu.memref_slice %arg2[%dma_wait3A_497] : memref<40960000xf32, #tpu.memory_space<hbm>> -> memref<28672xf32, #tpu.memory_space<hbm>>
            tpu.wait_dma2 semaphore(%arg12 : memref<!tpu.dma_semaphore, #tpu.memory_space<semaphore_mem>>) src(%dma_wait3A_498 : memref<28672xf32, #tpu.memory_space<hbm>>) dst(%dma_wait3A_496 : memref<28672xf32, #tpu.memory_space<vmem>>)
          } else {
          }
          %add3A_486 = arith.constant 2 : i32
          %add3A_487 = arith.addi %while3A_423, %add3A_486 : i32
          %lt3A_488 = arith.cmpi slt, %add3A_487, %select_n3A_34 : i32
          %convert_element_type3A_489 = arith.extui %lt3A_488 : i1 to i32
          %cond3A_490 = arith.constant 0 : i32
          %cond3A_491 = arith.cmpi ne, %convert_element_type3A_489, %cond3A_490 : i32
          scf.if %cond3A_491 {
            %rem3A_492 = arith.constant 3 : i32
            %rem3A_493 = arith.remsi %add3A_487, %rem3A_492 : i32
            %eq3A_494 = arith.constant 0 : i32
            %eq3A_495 = arith.cmpi eq, %rem3A_493, %eq3A_494 : i32
            %convert_element_type3A_496 = arith.extui %eq3A_495 : i1 to i32
            %cond3A_497 = arith.constant 0 : i32
            %cond3A_498 = arith.cmpi ne, %convert_element_type3A_496, %cond3A_497 : i32
            scf.if %cond3A_498 {
              %mul3A_509 = arith.constant 224 : i32
              %mul3A_510 = arith.muli %add3A_487, %mul3A_509 : i32
              %add3A_511 = arith.addi %mul3A_27, %mul3A_510 : i32
              %min3A_512 = arith.constant 319776 : i32
              %min3A_513 = arith.minsi %add3A_511, %min3A_512 : i32
              %multiple_of3A = tpu.assume_multiple %min3A_513, 8 : i32
              %mul3A_514 = arith.constant 128 : i32
              %mul3A_515 = arith.muli %multiple_of3A, %mul3A_514 : i32
              %dma_start3A = arith.constant 0 : i32
              %dma_start3A_516 = tpu.memref_slice %arg9[%dma_start3A] : memref<86016xf32, #tpu.memory_space<vmem>> -> memref<28672xf32, #tpu.memory_space<vmem>>
              %dma_start3A_517 = tpu.memref_slice %arg2[%mul3A_515] : memref<40960000xf32, #tpu.memory_space<hbm>> -> memref<28672xf32, #tpu.memory_space<hbm>>
              %dma_start3A_518 = arith.constant 0 : i32
              %dma_start3A_519 = tpu.memref_slice %arg9[%dma_start3A_518] : memref<86016xf32, #tpu.memory_space<vmem>> -> memref<28672xf32, #tpu.memory_space<vmem>>
              %dma_start3A_520 = tpu.memref_slice %arg2[%mul3A_515] : memref<40960000xf32, #tpu.memory_space<hbm>> -> memref<28672xf32, #tpu.memory_space<hbm>>
              tpu.enqueue_dma source(%dma_start3A_520 : memref<28672xf32, #tpu.memory_space<hbm>>) target(%dma_start3A_519 : memref<28672xf32, #tpu.memory_space<vmem>>) target_semaphore(%arg10 : memref<!tpu.dma_semaphore, #tpu.memory_space<semaphore_mem>>)
            } else {
            }
            %eq3A_499 = arith.constant 1 : i32
            %eq3A_500 = arith.cmpi eq, %rem3A_493, %eq3A_499 : i32
            %convert_element_type3A_501 = arith.extui %eq3A_500 : i1 to i32
            %cond3A_502 = arith.constant 0 : i32
            %cond3A_503 = arith.cmpi ne, %convert_element_type3A_501, %cond3A_502 : i32
            scf.if %cond3A_503 {
              %mul3A_509 = arith.constant 224 : i32
              %mul3A_510 = arith.muli %add3A_487, %mul3A_509 : i32
              %add3A_511 = arith.addi %mul3A_27, %mul3A_510 : i32
              %min3A_512 = arith.constant 319776 : i32
              %min3A_513 = arith.minsi %add3A_511, %min3A_512 : i32
              %multiple_of3A = tpu.assume_multiple %min3A_513, 8 : i32
              %mul3A_514 = arith.constant 128 : i32
              %mul3A_515 = arith.muli %multiple_of3A, %mul3A_514 : i32
              %dma_start3A = arith.constant 28672 : i32
              %dma_start3A_516 = tpu.memref_slice %arg9[%dma_start3A] : memref<86016xf32, #tpu.memory_space<vmem>> -> memref<28672xf32, #tpu.memory_space<vmem>>
              %dma_start3A_517 = tpu.memref_slice %arg2[%mul3A_515] : memref<40960000xf32, #tpu.memory_space<hbm>> -> memref<28672xf32, #tpu.memory_space<hbm>>
              %dma_start3A_518 = arith.constant 28672 : i32
              %dma_start3A_519 = tpu.memref_slice %arg9[%dma_start3A_518] : memref<86016xf32, #tpu.memory_space<vmem>> -> memref<28672xf32, #tpu.memory_space<vmem>>
              %dma_start3A_520 = tpu.memref_slice %arg2[%mul3A_515] : memref<40960000xf32, #tpu.memory_space<hbm>> -> memref<28672xf32, #tpu.memory_space<hbm>>
              tpu.enqueue_dma source(%dma_start3A_520 : memref<28672xf32, #tpu.memory_space<hbm>>) target(%dma_start3A_519 : memref<28672xf32, #tpu.memory_space<vmem>>) target_semaphore(%arg11 : memref<!tpu.dma_semaphore, #tpu.memory_space<semaphore_mem>>)
            } else {
            }
            %eq3A_504 = arith.constant 2 : i32
            %eq3A_505 = arith.cmpi eq, %rem3A_493, %eq3A_504 : i32
            %convert_element_type3A_506 = arith.extui %eq3A_505 : i1 to i32
            %cond3A_507 = arith.constant 0 : i32
            %cond3A_508 = arith.cmpi ne, %convert_element_type3A_506, %cond3A_507 : i32
            scf.if %cond3A_508 {
              %mul3A_509 = arith.constant 224 : i32
              %mul3A_510 = arith.muli %add3A_487, %mul3A_509 : i32
              %add3A_511 = arith.addi %mul3A_27, %mul3A_510 : i32
              %min3A_512 = arith.constant 319776 : i32
              %min3A_513 = arith.minsi %add3A_511, %min3A_512 : i32
              %multiple_of3A = tpu.assume_multiple %min3A_513, 8 : i32
              %mul3A_514 = arith.constant 128 : i32
              %mul3A_515 = arith.muli %multiple_of3A, %mul3A_514 : i32
              %dma_start3A = arith.constant 57344 : i32
              %dma_start3A_516 = tpu.memref_slice %arg9[%dma_start3A] : memref<86016xf32, #tpu.memory_space<vmem>> -> memref<28672xf32, #tpu.memory_space<vmem>>
              %dma_start3A_517 = tpu.memref_slice %arg2[%mul3A_515] : memref<40960000xf32, #tpu.memory_space<hbm>> -> memref<28672xf32, #tpu.memory_space<hbm>>
              %dma_start3A_518 = arith.constant 57344 : i32
              %dma_start3A_519 = tpu.memref_slice %arg9[%dma_start3A_518] : memref<86016xf32, #tpu.memory_space<vmem>> -> memref<28672xf32, #tpu.memory_space<vmem>>
              %dma_start3A_520 = tpu.memref_slice %arg2[%mul3A_515] : memref<40960000xf32, #tpu.memory_space<hbm>> -> memref<28672xf32, #tpu.memory_space<hbm>>
              tpu.enqueue_dma source(%dma_start3A_520 : memref<28672xf32, #tpu.memory_space<hbm>>) target(%dma_start3A_519 : memref<28672xf32, #tpu.memory_space<vmem>>) target_semaphore(%arg12 : memref<!tpu.dma_semaphore, #tpu.memory_space<semaphore_mem>>)
            } else {
            }
          } else {
          }
          scf.yield %while3A_423 : i32
        } else {
          scf.yield %while3A_424 : i32
        }
        %mul3A_439 = arith.constant 224 : i32
        %mul3A_440 = arith.muli %while3A_423, %mul3A_439 : i32
        %add3A_441 = arith.addi %mul3A_27, %mul3A_440 : i32
        %min3A = arith.constant 319776 : i32
        %min3A_442 = arith.minsi %add3A_441, %min3A : i32
        %rem3A_443 = arith.constant 3 : i32
        %rem3A_444 = arith.remsi %while3A_423, %rem3A_443 : i32
        %mul3A_445 = arith.constant 224 : i32
        %mul3A_446 = arith.muli %rem3A_444, %mul3A_445 : i32
        %sub3A_447 = arith.subi %mul3A_446, %min3A_442 : i32
        %mul3A_448 = arith.constant 128 : i32
        %mul3A_449 = arith.muli %sub3A_447, %mul3A_448 : i32
        %mul3A_450 = arith.constant 224 : i32
        %mul3A_451 = arith.muli %while3A_423, %mul3A_450 : i32
        %add3A_452 = arith.addi %mul3A_27, %mul3A_451 : i32
        %max3A = arith.maxsi %scan3A_388, %add3A_452 : i32
        %add3A_453 = arith.constant 1 : i32
        %add3A_454 = arith.addi %while3A_423, %add3A_453 : i32
        %mul3A_455 = arith.constant 224 : i32
        %mul3A_456 = arith.muli %add3A_454, %mul3A_455 : i32
        %add3A_457 = arith.addi %mul3A_27, %mul3A_456 : i32
        %min3A_458 = arith.minsi %squeeze3A_395, %add3A_457 : i32
        %while3A_459 = arith.subi %min3A_458, %max3A : i32
        %while3A_460 = arith.addi %max3A, %while3A_459 : i32
        %while3A_461 = arith.constant 1 : i32
        %while3A_462 = arith.divsi %while3A_459, %while3A_461 : i32
        %while3A_463 = arith.muli %while3A_462, %while3A_461 : i32
        %while3A_464 = arith.addi %max3A, %while3A_463 : i32
        %while3A_465 = arith.constant 1 : i32
        %while3A_466:8 = scf.for %while3A_469 = %max3A to %while3A_464 step %while3A_465 iter_args(%while3A_470 = %while3A_425, %while3A_471 = %while3A_426, %while3A_472 = %while3A_427, %while3A_473 = %while3A_428, %while3A_474 = %while3A_429, %while3A_475 = %while3A_430, %while3A_476 = %while3A_431, %while3A_477 = %while3A_432) -> (vector<16xf32>, vector<16xf32>, vector<16xf32>, vector<16xf32>, vector<16xf32>, vector<16xf32>, vector<16xf32>, vector<16xf32>)  : i32 {
          %mul3A_478 = arith.constant 128 : i32
          %mul3A_479 = arith.muli %while3A_469, %mul3A_478 : i32
          %add3A_480 = arith.addi %mul3A_449, %mul3A_479 : i32
          %add3A_481 = arith.constant 0 : i32
          %add3A_482 = arith.addi %add3A_480, %add3A_481 : i32
          %get3A_483 = arith.index_cast %add3A_482 : i32 to index
          %get3A_484 = tpu.vector_load %arg9[%get3A_483] {strides = array<i32>} : memref<86016xf32, #tpu.memory_space<vmem>>, vector<16xf32>,
          %get3A_485 = vector.shape_cast %get3A_484 : vector<16xf32> to vector<16xf32>
          %max3A_486 = arith.maximumf %while3A_470, %get3A_485 : vector<16xf32>
          %add3A_487 = arith.constant 16 : i32
          %add3A_488 = arith.addi %add3A_480, %add3A_487 : i32
          %get3A_489 = arith.index_cast %add3A_488 : i32 to index
          %get3A_490 = tpu.vector_load %arg9[%get3A_489] {strides = array<i32>} : memref<86016xf32, #tpu.memory_space<vmem>>, vector<16xf32>,
          %get3A_491 = vector.shape_cast %get3A_490 : vector<16xf32> to vector<16xf32>
          %max3A_492 = arith.maximumf %while3A_471, %get3A_491 : vector<16xf32>
          %add3A_493 = arith.constant 32 : i32
          %add3A_494 = arith.addi %add3A_480, %add3A_493 : i32
          %get3A_495 = arith.index_cast %add3A_494 : i32 to index
          %get3A_496 = tpu.vector_load %arg9[%get3A_495] {strides = array<i32>} : memref<86016xf32, #tpu.memory_space<vmem>>, vector<16xf32>,
          %get3A_497 = vector.shape_cast %get3A_496 : vector<16xf32> to vector<16xf32>
          %max3A_498 = arith.maximumf %while3A_472, %get3A_497 : vector<16xf32>
          %add3A_499 = arith.constant 48 : i32
          %add3A_500 = arith.addi %add3A_480, %add3A_499 : i32
          %get3A_501 = arith.index_cast %add3A_500 : i32 to index
          %get3A_502 = tpu.vector_load %arg9[%get3A_501] {strides = array<i32>} : memref<86016xf32, #tpu.memory_space<vmem>>, vector<16xf32>,
          %get3A_503 = vector.shape_cast %get3A_502 : vector<16xf32> to vector<16xf32>
          %max3A_504 = arith.maximumf %while3A_473, %get3A_503 : vector<16xf32>
          %add3A_505 = arith.constant 64 : i32
          %add3A_506 = arith.addi %add3A_480, %add3A_505 : i32
          %get3A_507 = arith.index_cast %add3A_506 : i32 to index
          %get3A_508 = tpu.vector_load %arg9[%get3A_507] {strides = array<i32>} : memref<86016xf32, #tpu.memory_space<vmem>>, vector<16xf32>,
          %get3A_509 = vector.shape_cast %get3A_508 : vector<16xf32> to vector<16xf32>
          %max3A_510 = arith.maximumf %while3A_474, %get3A_509 : vector<16xf32>
          %add3A_511 = arith.constant 80 : i32
          %add3A_512 = arith.addi %add3A_480, %add3A_511 : i32
          %get3A_513 = arith.index_cast %add3A_512 : i32 to index
          %get3A_514 = tpu.vector_load %arg9[%get3A_513] {strides = array<i32>} : memref<86016xf32, #tpu.memory_space<vmem>>, vector<16xf32>,
          %get3A_515 = vector.shape_cast %get3A_514 : vector<16xf32> to vector<16xf32>
          %max3A_516 = arith.maximumf %while3A_475, %get3A_515 : vector<16xf32>
          %add3A_517 = arith.constant 96 : i32
          %add3A_518 = arith.addi %add3A_480, %add3A_517 : i32
          %get3A_519 = arith.index_cast %add3A_518 : i32 to index
          %get3A_520 = tpu.vector_load %arg9[%get3A_519] {strides = array<i32>} : memref<86016xf32, #tpu.memory_space<vmem>>, vector<16xf32>,
          %get3A_521 = vector.shape_cast %get3A_520 : vector<16xf32> to vector<16xf32>
          %max3A_522 = arith.maximumf %while3A_476, %get3A_521 : vector<16xf32>
          %add3A_523 = arith.constant 112 : i32
          %add3A_524 = arith.addi %add3A_480, %add3A_523 : i32
          %get3A_525 = arith.index_cast %add3A_524 : i32 to index
          %get3A_526 = tpu.vector_load %arg9[%get3A_525] {strides = array<i32>} : memref<86016xf32, #tpu.memory_space<vmem>>, vector<16xf32>,
          %get3A_527 = vector.shape_cast %get3A_526 : vector<16xf32> to vector<16xf32>
          %max3A_528 = arith.maximumf %while3A_477, %get3A_527 : vector<16xf32>
          scf.yield %max3A_486, %max3A_492, %max3A_498, %max3A_504, %max3A_510, %max3A_516, %max3A_522, %max3A_528 : vector<16xf32>, vector<16xf32>, vector<16xf32>, vector<16xf32>, vector<16xf32>, vector<16xf32>, vector<16xf32>, vector<16xf32>
        }
        %while3A_467 = arith.constant 1 : i32
        %while3A_468:8 = scf.for %while3A_469 = %while3A_464 to %while3A_460 step %while3A_467 iter_args(%while3A_470 = %while3A_466#0, %while3A_471 = %while3A_466#1, %while3A_472 = %while3A_466#2, %while3A_473 = %while3A_466#3, %while3A_474 = %while3A_466#4, %while3A_475 = %while3A_466#5, %while3A_476 = %while3A_466#6, %while3A_477 = %while3A_466#7) -> (vector<16xf32>, vector<16xf32>, vector<16xf32>, vector<16xf32>, vector<16xf32>, vector<16xf32>, vector<16xf32>, vector<16xf32>)  : i32 {
          %mul3A_478 = arith.constant 128 : i32
          %mul3A_479 = arith.muli %while3A_469, %mul3A_478 : i32
          %add3A_480 = arith.addi %mul3A_449, %mul3A_479 : i32
          %add3A_481 = arith.constant 0 : i32
          %add3A_482 = arith.addi %add3A_480, %add3A_481 : i32
          %get3A_483 = arith.index_cast %add3A_482 : i32 to index
          %get3A_484 = tpu.vector_load %arg9[%get3A_483] {strides = array<i32>} : memref<86016xf32, #tpu.memory_space<vmem>>, vector<16xf32>,
          %get3A_485 = vector.shape_cast %get3A_484 : vector<16xf32> to vector<16xf32>
          %max3A_486 = arith.maximumf %while3A_470, %get3A_485 : vector<16xf32>
          %add3A_487 = arith.constant 16 : i32
          %add3A_488 = arith.addi %add3A_480, %add3A_487 : i32
          %get3A_489 = arith.index_cast %add3A_488 : i32 to index
          %get3A_490 = tpu.vector_load %arg9[%get3A_489] {strides = array<i32>} : memref<86016xf32, #tpu.memory_space<vmem>>, vector<16xf32>,
          %get3A_491 = vector.shape_cast %get3A_490 : vector<16xf32> to vector<16xf32>
          %max3A_492 = arith.maximumf %while3A_471, %get3A_491 : vector<16xf32>
          %add3A_493 = arith.constant 32 : i32
          %add3A_494 = arith.addi %add3A_480, %add3A_493 : i32
          %get3A_495 = arith.index_cast %add3A_494 : i32 to index
          %get3A_496 = tpu.vector_load %arg9[%get3A_495] {strides = array<i32>} : memref<86016xf32, #tpu.memory_space<vmem>>, vector<16xf32>,
          %get3A_497 = vector.shape_cast %get3A_496 : vector<16xf32> to vector<16xf32>
          %max3A_498 = arith.maximumf %while3A_472, %get3A_497 : vector<16xf32>
          %add3A_499 = arith.constant 48 : i32
          %add3A_500 = arith.addi %add3A_480, %add3A_499 : i32
          %get3A_501 = arith.index_cast %add3A_500 : i32 to index
          %get3A_502 = tpu.vector_load %arg9[%get3A_501] {strides = array<i32>} : memref<86016xf32, #tpu.memory_space<vmem>>, vector<16xf32>,
          %get3A_503 = vector.shape_cast %get3A_502 : vector<16xf32> to vector<16xf32>
          %max3A_504 = arith.maximumf %while3A_473, %get3A_503 : vector<16xf32>
          %add3A_505 = arith.constant 64 : i32
          %add3A_506 = arith.addi %add3A_480, %add3A_505 : i32
          %get3A_507 = arith.index_cast %add3A_506 : i32 to index
          %get3A_508 = tpu.vector_load %arg9[%get3A_507] {strides = array<i32>} : memref<86016xf32, #tpu.memory_space<vmem>>, vector<16xf32>,
          %get3A_509 = vector.shape_cast %get3A_508 : vector<16xf32> to vector<16xf32>
          %max3A_510 = arith.maximumf %while3A_474, %get3A_509 : vector<16xf32>
          %add3A_511 = arith.constant 80 : i32
          %add3A_512 = arith.addi %add3A_480, %add3A_511 : i32
          %get3A_513 = arith.index_cast %add3A_512 : i32 to index
          %get3A_514 = tpu.vector_load %arg9[%get3A_513] {strides = array<i32>} : memref<86016xf32, #tpu.memory_space<vmem>>, vector<16xf32>,
          %get3A_515 = vector.shape_cast %get3A_514 : vector<16xf32> to vector<16xf32>
          %max3A_516 = arith.maximumf %while3A_475, %get3A_515 : vector<16xf32>
          %add3A_517 = arith.constant 96 : i32
          %add3A_518 = arith.addi %add3A_480, %add3A_517 : i32
          %get3A_519 = arith.index_cast %add3A_518 : i32 to index
          %get3A_520 = tpu.vector_load %arg9[%get3A_519] {strides = array<i32>} : memref<86016xf32, #tpu.memory_space<vmem>>, vector<16xf32>,
          %get3A_521 = vector.shape_cast %get3A_520 : vector<16xf32> to vector<16xf32>
          %max3A_522 = arith.maximumf %while3A_476, %get3A_521 : vector<16xf32>
          %add3A_523 = arith.constant 112 : i32
          %add3A_524 = arith.addi %add3A_480, %add3A_523 : i32
          %get3A_525 = arith.index_cast %add3A_524 : i32 to index
          %get3A_526 = tpu.vector_load %arg9[%get3A_525] {strides = array<i32>} : memref<86016xf32, #tpu.memory_space<vmem>>, vector<16xf32>,
          %get3A_527 = vector.shape_cast %get3A_526 : vector<16xf32> to vector<16xf32>
          %max3A_528 = arith.maximumf %while3A_477, %get3A_527 : vector<16xf32>
          scf.yield %max3A_486, %max3A_492, %max3A_498, %max3A_504, %max3A_510, %max3A_516, %max3A_522, %max3A_528 : vector<16xf32>, vector<16xf32>, vector<16xf32>, vector<16xf32>, vector<16xf32>, vector<16xf32>, vector<16xf32>, vector<16xf32>
        }
        scf.yield %cond3A_438, %while3A_468#0, %while3A_468#1, %while3A_468#2, %while3A_468#3, %while3A_468#4, %while3A_468#5, %while3A_468#6, %while3A_468#7 : i32, vector<16xf32>, vector<16xf32>, vector<16xf32>, vector<16xf32>, vector<16xf32>, vector<16xf32>, vector<16xf32>, vector<16xf32>
      }
      %gt3A_419 = arith.cmpi sgt, %squeeze3A_395, %scan3A_388 : i32
      %convert_element_type3A_420 = arith.extui %gt3A_419 : i1 to i32
      %cond3A_421 = arith.constant 0 : i32
      %cond3A_422 = arith.cmpi ne, %convert_element_type3A_420, %cond3A_421 : i32
      scf.if %cond3A_422 {
        %mul3A_423 = arith.constant 128 : i32
        %mul3A_424 = arith.muli %scan3A_386, %mul3A_423 : i32
        %add3A_425 = arith.constant 0 : i32
        %add3A_426 = arith.addi %mul3A_424, %add3A_425 : i32
        %swap3A_427 = arith.index_cast %add3A_426 : i32 to index
        %swap3A_428 = tpu.vector_load %arg7[%swap3A_427] {strides = array<i32>} : memref<40960xf32, #tpu.memory_space<vmem>>, vector<16xf32>,
        %swap3A_429 = vector.shape_cast %swap3A_428 : vector<16xf32> to vector<16xf32>
        %swap3A_430 = vector.shape_cast %while3A_418#1 : vector<16xf32> to vector<16xf32>
        tpu.vector_store %arg7[%swap3A_427], %swap3A_430 {strides = array<i32>} : memref<40960xf32, #tpu.memory_space<vmem>>, vector<16xf32>,
        %mul3A_431 = arith.constant 128 : i32
        %mul3A_432 = arith.muli %scan3A_386, %mul3A_431 : i32
        %add3A_433 = arith.constant 16 : i32
        %add3A_434 = arith.addi %mul3A_432, %add3A_433 : i32
        %swap3A_435 = arith.index_cast %add3A_434 : i32 to index
        %swap3A_436 = tpu.vector_load %arg7[%swap3A_435] {strides = array<i32>} : memref<40960xf32, #tpu.memory_space<vmem>>, vector<16xf32>,
        %swap3A_437 = vector.shape_cast %swap3A_436 : vector<16xf32> to vector<16xf32>
        %swap3A_438 = vector.shape_cast %while3A_418#2 : vector<16xf32> to vector<16xf32>
        tpu.vector_store %arg7[%swap3A_435], %swap3A_438 {strides = array<i32>} : memref<40960xf32, #tpu.memory_space<vmem>>, vector<16xf32>,
        %mul3A_439 = arith.constant 128 : i32
        %mul3A_440 = arith.muli %scan3A_386, %mul3A_439 : i32
        %add3A_441 = arith.constant 32 : i32
        %add3A_442 = arith.addi %mul3A_440, %add3A_441 : i32
        %swap3A_443 = arith.index_cast %add3A_442 : i32 to index
        %swap3A_444 = tpu.vector_load %arg7[%swap3A_443] {strides = array<i32>} : memref<40960xf32, #tpu.memory_space<vmem>>, vector<16xf32>,
        %swap3A_445 = vector.shape_cast %swap3A_444 : vector<16xf32> to vector<16xf32>
        %swap3A_446 = vector.shape_cast %while3A_418#3 : vector<16xf32> to vector<16xf32>
        tpu.vector_store %arg7[%swap3A_443], %swap3A_446 {strides = array<i32>} : memref<40960xf32, #tpu.memory_space<vmem>>, vector<16xf32>,
        %mul3A_447 = arith.constant 128 : i32
        %mul3A_448 = arith.muli %scan3A_386, %mul3A_447 : i32
        %add3A_449 = arith.constant 48 : i32
        %add3A_450 = arith.addi %mul3A_448, %add3A_449 : i32
        %swap3A_451 = arith.index_cast %add3A_450 : i32 to index
        %swap3A_452 = tpu.vector_load %arg7[%swap3A_451] {strides = array<i32>} : memref<40960xf32, #tpu.memory_space<vmem>>, vector<16xf32>,
        %swap3A_453 = vector.shape_cast %swap3A_452 : vector<16xf32> to vector<16xf32>
        %swap3A_454 = vector.shape_cast %while3A_418#4 : vector<16xf32> to vector<16xf32>
        tpu.vector_store %arg7[%swap3A_451], %swap3A_454 {strides = array<i32>} : memref<40960xf32, #tpu.memory_space<vmem>>, vector<16xf32>,
        %mul3A_455 = arith.constant 128 : i32
        %mul3A_456 = arith.muli %scan3A_386, %mul3A_455 : i32
        %add3A_457 = arith.constant 64 : i32
        %add3A_458 = arith.addi %mul3A_456, %add3A_457 : i32
        %swap3A_459 = arith.index_cast %add3A_458 : i32 to index
        %swap3A_460 = tpu.vector_load %arg7[%swap3A_459] {strides = array<i32>} : memref<40960xf32, #tpu.memory_space<vmem>>, vector<16xf32>,
        %swap3A_461 = vector.shape_cast %swap3A_460 : vector<16xf32> to vector<16xf32>
        %swap3A_462 = vector.shape_cast %while3A_418#5 : vector<16xf32> to vector<16xf32>
        tpu.vector_store %arg7[%swap3A_459], %swap3A_462 {strides = array<i32>} : memref<40960xf32, #tpu.memory_space<vmem>>, vector<16xf32>,
        %mul3A_463 = arith.constant 128 : i32
        %mul3A_464 = arith.muli %scan3A_386, %mul3A_463 : i32
        %add3A_465 = arith.constant 80 : i32
        %add3A_466 = arith.addi %mul3A_464, %add3A_465 : i32
        %swap3A_467 = arith.index_cast %add3A_466 : i32 to index
        %swap3A_468 = tpu.vector_load %arg7[%swap3A_467] {strides = array<i32>} : memref<40960xf32, #tpu.memory_space<vmem>>, vector<16xf32>,
        %swap3A_469 = vector.shape_cast %swap3A_468 : vector<16xf32> to vector<16xf32>
        %swap3A_470 = vector.shape_cast %while3A_418#6 : vector<16xf32> to vector<16xf32>
        tpu.vector_store %arg7[%swap3A_467], %swap3A_470 {strides = array<i32>} : memref<40960xf32, #tpu.memory_space<vmem>>, vector<16xf32>,
        %mul3A_471 = arith.constant 128 : i32
        %mul3A_472 = arith.muli %scan3A_386, %mul3A_471 : i32
        %add3A_473 = arith.constant 96 : i32
        %add3A_474 = arith.addi %mul3A_472, %add3A_473 : i32
        %swap3A_475 = arith.index_cast %add3A_474 : i32 to index
        %swap3A_476 = tpu.vector_load %arg7[%swap3A_475] {strides = array<i32>} : memref<40960xf32, #tpu.memory_space<vmem>>, vector<16xf32>,
        %swap3A_477 = vector.shape_cast %swap3A_476 : vector<16xf32> to vector<16xf32>
        %swap3A_478 = vector.shape_cast %while3A_418#7 : vector<16xf32> to vector<16xf32>
        tpu.vector_store %arg7[%swap3A_475], %swap3A_478 {strides = array<i32>} : memref<40960xf32, #tpu.memory_space<vmem>>, vector<16xf32>,
        %mul3A_479 = arith.constant 128 : i32
        %mul3A_480 = arith.muli %scan3A_386, %mul3A_479 : i32
        %add3A_481 = arith.constant 112 : i32
        %add3A_482 = arith.addi %mul3A_480, %add3A_481 : i32
        %swap3A_483 = arith.index_cast %add3A_482 : i32 to index
        %swap3A_484 = tpu.vector_load %arg7[%swap3A_483] {strides = array<i32>} : memref<40960xf32, #tpu.memory_space<vmem>>, vector<16xf32>,
        %swap3A_485 = vector.shape_cast %swap3A_484 : vector<16xf32> to vector<16xf32>
        %swap3A_486 = vector.shape_cast %while3A_418#8 : vector<16xf32> to vector<16xf32>
        tpu.vector_store %arg7[%swap3A_483], %swap3A_486 {strides = array<i32>} : memref<40960xf32, #tpu.memory_space<vmem>>, vector<16xf32>,
      } else {
      }
      scf.yield %while3A_418#0, %squeeze3A_395 : i32, i32
    }
    %scan3A_377 = arith.constant 320 : i32
    %lt3A = arith.constant 31 : i32
    %lt3A_378 = arith.cmpi slt, %add3A, %lt3A : i32
    %convert_element_type3A_379 = arith.extui %lt3A_378 : i1 to i32
    %cond3A_380 = arith.constant 0 : i32
    %cond3A_381 = arith.cmpi ne, %convert_element_type3A_379, %cond3A_380 : i32
    scf.if %cond3A_381 {
      %mul3A_386 = arith.constant 128 : i32
      %mul3A_387 = arith.muli %mul3A_2, %mul3A_386 : i32
      "tpu.region"() ({
        %run_scoped3A = tpu.sem_alloc : memref<!tpu.dma_semaphore, #tpu.memory_space<semaphore_mem>>
        %dma_start3A = tpu.memref_slice %arg4[%mul3A_387] : memref<1280000xf32, #tpu.memory_space<hbm>> -> memref<40960xf32, #tpu.memory_space<hbm>>
        %dma_start3A_388 = tpu.memref_slice %arg4[%mul3A_387] : memref<1280000xf32, #tpu.memory_space<hbm>> -> memref<40960xf32, #tpu.memory_space<hbm>>
        tpu.enqueue_dma source(%arg7 : memref<40960xf32, #tpu.memory_space<vmem>>) target(%dma_start3A_388 : memref<40960xf32, #tpu.memory_space<hbm>>) target_semaphore(%run_scoped3A : memref<!tpu.dma_semaphore, #tpu.memory_space<semaphore_mem>>)
        %dma_wait3A = tpu.memref_slice %arg4[%mul3A_387] : memref<1280000xf32, #tpu.memory_space<hbm>> -> memref<40960xf32, #tpu.memory_space<hbm>>
        %dma_wait3A_389 = tpu.memref_slice %arg4[%mul3A_387] : memref<1280000xf32, #tpu.memory_space<hbm>> -> memref<40960xf32, #tpu.memory_space<hbm>>
        tpu.wait_dma2 semaphore(%run_scoped3A : memref<!tpu.dma_semaphore, #tpu.memory_space<semaphore_mem>>) src(%arg7 : memref<40960xf32, #tpu.memory_space<vmem>>) dst(%dma_wait3A_389 : memref<40960xf32, #tpu.memory_space<hbm>>)
        tpu.yield
      }) : () -> ()
      "tpu.region"() ({
        %run_scoped3A = tpu.sem_alloc : memref<!tpu.dma_semaphore, #tpu.memory_space<semaphore_mem>>
        %dma_start3A = tpu.memref_slice %arg5[%mul3A_2] : memref<10000xi32, #tpu.memory_space<hbm>> -> memref<320xi32, #tpu.memory_space<hbm>>
        %dma_start3A_388 = tpu.memref_slice %arg5[%mul3A_2] : memref<10000xi32, #tpu.memory_space<hbm>> -> memref<320xi32, #tpu.memory_space<hbm>>
        tpu.enqueue_dma source(%arg8 : memref<320xi32, #tpu.memory_space<vmem>>) target(%dma_start3A_388 : memref<320xi32, #tpu.memory_space<hbm>>) target_semaphore(%run_scoped3A : memref<!tpu.dma_semaphore, #tpu.memory_space<semaphore_mem>>)
        %dma_wait3A = tpu.memref_slice %arg5[%mul3A_2] : memref<10000xi32, #tpu.memory_space<hbm>> -> memref<320xi32, #tpu.memory_space<hbm>>
        %dma_wait3A_389 = tpu.memref_slice %arg5[%mul3A_2] : memref<10000xi32, #tpu.memory_space<hbm>> -> memref<320xi32, #tpu.memory_space<hbm>>
        tpu.wait_dma2 semaphore(%run_scoped3A : memref<!tpu.dma_semaphore, #tpu.memory_space<semaphore_mem>>) src(%arg8 : memref<320xi32, #tpu.memory_space<vmem>>) dst(%dma_wait3A_389 : memref<320xi32, #tpu.memory_space<hbm>>)
        tpu.yield
      }) : () -> ()
    } else {
    }
    %eq3A = arith.constant 31 : i32
    %eq3A_382 = arith.cmpi eq, %add3A, %eq3A : i32
    %convert_element_type3A_383 = arith.extui %eq3A_382 : i1 to i32
    %cond3A_384 = arith.constant 0 : i32
    %cond3A_385 = arith.cmpi ne, %convert_element_type3A_383, %cond3A_384 : i32
    scf.if %cond3A_385 {
      %mul3A_386 = arith.constant 128 : i32
      %mul3A_387 = arith.muli %mul3A_2, %mul3A_386 : i32
      "tpu.region"() ({
        %run_scoped3A = tpu.sem_alloc : memref<!tpu.dma_semaphore, #tpu.memory_space<semaphore_mem>>
        %dma_start3A = arith.constant 0 : i32
        %dma_start3A_388 = tpu.memref_slice %arg7[%dma_start3A] : memref<40960xf32, #tpu.memory_space<vmem>> -> memref<10240xf32, #tpu.memory_space<vmem>>
        %dma_start3A_389 = tpu.memref_slice %arg4[%mul3A_387] : memref<1280000xf32, #tpu.memory_space<hbm>> -> memref<10240xf32, #tpu.memory_space<hbm>>
        %dma_start3A_390 = tpu.memref_slice %arg4[%mul3A_387] : memref<1280000xf32, #tpu.memory_space<hbm>> -> memref<10240xf32, #tpu.memory_space<hbm>>
        %dma_start3A_391 = arith.constant 0 : i32
        %dma_start3A_392 = tpu.memref_slice %arg7[%dma_start3A_391] : memref<40960xf32, #tpu.memory_space<vmem>> -> memref<10240xf32, #tpu.memory_space<vmem>>
        tpu.enqueue_dma source(%dma_start3A_392 : memref<10240xf32, #tpu.memory_space<vmem>>) target(%dma_start3A_390 : memref<10240xf32, #tpu.memory_space<hbm>>) target_semaphore(%run_scoped3A : memref<!tpu.dma_semaphore, #tpu.memory_space<semaphore_mem>>)
        %dma_wait3A = arith.constant 0 : i32
        %dma_wait3A_393 = tpu.memref_slice %arg7[%dma_wait3A] : memref<40960xf32, #tpu.memory_space<vmem>> -> memref<10240xf32, #tpu.memory_space<vmem>>
        %dma_wait3A_394 = tpu.memref_slice %arg4[%mul3A_387] : memref<1280000xf32, #tpu.memory_space<hbm>> -> memref<10240xf32, #tpu.memory_space<hbm>>
        %dma_wait3A_395 = tpu.memref_slice %arg4[%mul3A_387] : memref<1280000xf32, #tpu.memory_space<hbm>> -> memref<10240xf32, #tpu.memory_space<hbm>>
        %dma_wait3A_396 = arith.constant 0 : i32
        %dma_wait3A_397 = tpu.memref_slice %arg7[%dma_wait3A_396] : memref<40960xf32, #tpu.memory_space<vmem>> -> memref<10240xf32, #tpu.memory_space<vmem>>
        tpu.wait_dma2 semaphore(%run_scoped3A : memref<!tpu.dma_semaphore, #tpu.memory_space<semaphore_mem>>) src(%dma_wait3A_397 : memref<10240xf32, #tpu.memory_space<vmem>>) dst(%dma_wait3A_395 : memref<10240xf32, #tpu.memory_space<hbm>>)
        tpu.yield
      }) : () -> ()
      "tpu.region"() ({
        %run_scoped3A = tpu.sem_alloc : memref<!tpu.dma_semaphore, #tpu.memory_space<semaphore_mem>>
        %dma_start3A = arith.constant 0 : i32
        %dma_start3A_388 = tpu.memref_slice %arg8[%dma_start3A] : memref<320xi32, #tpu.memory_space<vmem>> -> memref<80xi32, #tpu.memory_space<vmem>>
        %dma_start3A_389 = tpu.memref_slice %arg5[%mul3A_2] : memref<10000xi32, #tpu.memory_space<hbm>> -> memref<80xi32, #tpu.memory_space<hbm>>
        %dma_start3A_390 = tpu.memref_slice %arg5[%mul3A_2] : memref<10000xi32, #tpu.memory_space<hbm>> -> memref<80xi32, #tpu.memory_space<hbm>>
        %dma_start3A_391 = arith.constant 0 : i32
        %dma_start3A_392 = tpu.memref_slice %arg8[%dma_start3A_391] : memref<320xi32, #tpu.memory_space<vmem>> -> memref<80xi32, #tpu.memory_space<vmem>>
        tpu.enqueue_dma source(%dma_start3A_392 : memref<80xi32, #tpu.memory_space<vmem>>) target(%dma_start3A_390 : memref<80xi32, #tpu.memory_space<hbm>>) target_semaphore(%run_scoped3A : memref<!tpu.dma_semaphore, #tpu.memory_space<semaphore_mem>>)
        %dma_wait3A = arith.constant 0 : i32
        %dma_wait3A_393 = tpu.memref_slice %arg8[%dma_wait3A] : memref<320xi32, #tpu.memory_space<vmem>> -> memref<80xi32, #tpu.memory_space<vmem>>
        %dma_wait3A_394 = tpu.memref_slice %arg5[%mul3A_2] : memref<10000xi32, #tpu.memory_space<hbm>> -> memref<80xi32, #tpu.memory_space<hbm>>
        %dma_wait3A_395 = tpu.memref_slice %arg5[%mul3A_2] : memref<10000xi32, #tpu.memory_space<hbm>> -> memref<80xi32, #tpu.memory_space<hbm>>
        %dma_wait3A_396 = arith.constant 0 : i32
        %dma_wait3A_397 = tpu.memref_slice %arg8[%dma_wait3A_396] : memref<320xi32, #tpu.memory_space<vmem>> -> memref<80xi32, #tpu.memory_space<vmem>>
        tpu.wait_dma2 semaphore(%run_scoped3A : memref<!tpu.dma_semaphore, #tpu.memory_space<semaphore_mem>>) src(%dma_wait3A_397 : memref<80xi32, #tpu.memory_space<vmem>>) dst(%dma_wait3A_395 : memref<80xi32, #tpu.memory_space<hbm>>)
        tpu.yield
      }) : () -> ()
    } else {
    }
    return
  }
}

</mosaic_0001>

<sc_bundles>
// kernel: kernel.3.cloned.1.call-start
scs
__scs_entry_jumppad:
0x0: {  	(pc) =	sbr.rel $0x88, $3  }
0x1: {  	(tag) =	ssettag $0x0;
	lr =	simm.s32 $0x1  }
0x2: {  	[smem:$0x3F9F] =	sst lr;
	_ =	strace $0xD0000000  }
0x3: {  	_ = 	snop  }
0x4: {  	_ = 	snop  }
0x5: {  	_ = 	snop  }
0x6: {  	_ = 	snop  }
0x7: {  	_ = 	snop  }
__scs_overlays_trampoline_lowered:
0x8: {  	[smem:$0x3FAE] =	sst s0  }
0x9: {  	[smem:$0x3FAF] =	sst s1  }
0xa: {  	[smem:$0x3FB0] =	sst s2  }
0xb: {  	[smem:$0x3FB1] =	sst s3  }
0xc: {  	[smem:$0x3FB2] =	sst s4  }
0xd: {  	[smem:$0x3FB3] =	sst s5  }
0xe: {  	[smem:$0x3FB4] =	sst s6  }
0xf: {  	[smem:$0x3FB5] =	sst s7  }
0x10: {  	[smem:$0x3FB6] =	sst s8  }
0x11: {  	[smem:$0x3FB7] =	sst s9;
	s0 =	simm.s32 @!p0 $0x0  }
0x12: {  	s1 =	sld [smem:$0x3F9D];
	s0 =	simm.s32 @p0 $0x1  }
0x13: {  	[smem:$0x3FB8] =	sst s0;
	s0 =	simm.s32 @!p1 $0x0  }
0x14: {  	s2 =	sld [smem:$0x3F9C];
	s0 =	simm.s32 @p1 $0x1  }
0x15: {  	[smem:$0x3FB9] =	sst s0;
	s0 =	simm.s32 @!p2 $0x0  }
0x16: {  	s3 =	sld [smem:$0x3FDB];
	s0 =	simm.s32 @p2 $0x1  }
0x17: {  	s4 =	simm.s32 $0x1BF5;
	[smem:$0x3FBB] =	sst s0  }
0x18: {  	s0 =	sld [smem:$0x3F9E];
	_ =	swait.ge [sflag:s4], $0x0  }
0x19: {  	s7 =	sld [smem:$0x3F9F]  }
0x1a: {  	s8 =	sadd.s32 $0xFFFFE003, lr  }
0x1b: {  	s9 =	sadd.s32 $0xFFFFFEF7, lr;
	s5 =	simm.s32 $0xFFFFFFFF;
	p2 =	slt.u32 s8, $0xFFFFF086  }
0x1c: {  	p1 =	slt.u32 s9, $0xF7A;
	s5 =	simm.s32 @!p2 $0x0  }
0x1d: {  	s5 =	simm.s32 @p1 $0x1;
	p0 =	seq.s32 s7, s2  }
0x1e: {  	s7 =	smul.u32 @!p0 $0xF7A, s2;
	p2 =	seq.s32 @!p0 s5, $0x0  }
0x1f: {  	s9 =	smul.u32 $0xF7A, s1;
	s8 =	simm.s32 @!p0 $0x1BF5;
	p2 =	por !p2, p0  }
0x20: {  	[sflag:s8] =	ssyncset.s32 @!p0 $0xFFFFF086;
	s6 =	sadd.s32 @!p0 s3, s7;
	s7 =	simm.s32 @!p0 $0x108  }
0x21: {  	s3 =	sadd.s32 s3, s9;
	s6 =	sadd.s32 @!p0 $0x88, s6;
	s7 =	simm.s32 @p2 $0x1082  }
0x22: {  	[simem:s7], [sflag:s8] =	dma.local @!p0 [hbm:s6], $0xF7A  }
0x23: {  	s9 =	sor.u32 $0xD0000000, s2;
	s6 =	simm.s32 $0x108;
	_ =	swait.ge @!p0 [sflag:s8], $0x0  }
0x24: {  	s3 =	sadd.s32 $0x88, s3;
	s6 =	simm.s32 @!p1 $0x1082;
	[sflag:s4] =	ssyncset.s32 $0xFFFFF086  }
0x25: {  	[simem:s6], [sflag:s4] =	dma.local [hbm:s3], $0xF7A  }
0x26: {  	[smem:$0x3F9F] =	sst s1;
	(tag) =	ssettag s2;
	_ =	strace s9  }
0x27: {  	s1 =	sld [smem:$0x3FAF]  }
0x28: {  	s2 =	sld [smem:$0x3FB0]  }
0x29: {  	s4 =	sld [smem:$0x3FB2]  }
0x2a: {  	p0 =	seq.s32 s5, $0x0;
	s5 =	sld [smem:$0x3FB3]  }
0x2b: {  	s6 =	sld [smem:$0x3FB4]  }
0x2c: {  	s7 =	sld [smem:$0x3FB5]  }
0x2d: {  	s3 =	simm.s32 $0x108;
	s8 =	sld [smem:$0x3FB6]  }
0x2e: {  	s3 =	simm.s32 @!p0 $0x1082;
	s9 =	sld [smem:$0x3FB7]  }
0x2f: {  	lr =	sadd.s32 s0, s3;
	s0 =	sld [smem:$0x3FAE]  }
0x30: {  	s3 =	sld [smem:$0x3FB1]  }
0x31: {  	[smem:$0x3FBA] =	sst s10  }
0x32: {  	s10 =	sld [smem:$0x3FB8];
	_ =	sdelay $0x3  }
0x33: {  	p0 =	seq.s32 s10, $0x1;
	s10 =	sld [smem:$0x3FBA];
	_ =	sdelay $0x3  }
0x34: {  	[smem:$0x3FBA] =	sst s10  }
0x35: {  	s10 =	sld [smem:$0x3FB9];
	_ =	sdelay $0x3  }
0x36: {  	p1 =	seq.s32 s10, $0x1;
	s10 =	sld [smem:$0x3FBA];
	_ =	sdelay $0x3  }
0x37: {  	[smem:$0x3FBA] =	sst s10  }
0x38: {  	s10 =	sld [smem:$0x3FBB]  }
0x39: {  	_ = 	snop;
	(pc) =	sbr.ind lr, $3  }
0x3a: {  	_ = 	snop  }
0x3b: {  	_ = 	snop  }
0x3c: {  	p2 =	seq.s32 s10, $0x1;
	s10 =	sld [smem:$0x3FBA]  }
0x3d: {  	_ =	shalt  }
0x3e: {  	_ =	shalt  }
0x3f: {  	_ =	shalt  }
0x40: {  	_ =	shalt  }
0x41: {  	_ =	shalt  }
0x42: {  	_ =	shalt  }
0x43: {  	_ =	shalt  }
0x44: {  	_ =	shalt  }
0x45: {  	_ =	shalt  }
0x46: {  	_ =	shalt  }
0x47: {  	_ =	shalt  }
0x48: {  	_ =	shalt  }
0x49: {  	_ =	shalt  }
0x4a: {  	_ =	shalt  }
0x4b: {  	_ =	shalt  }
0x4c: {  	_ =	shalt  }
0x4d: {  	_ =	shalt  }
0x4e: {  	_ =	shalt  }
0x4f: {  	_ =	shalt  }
0x50: {  	_ =	shalt  }
0x51: {  	_ =	shalt  }
0x52: {  	_ =	shalt  }
0x53: {  	_ =	shalt  }
0x54: {  	_ =	shalt  }
0x55: {  	_ =	shalt  }
0x56: {  	_ =	shalt  }
0x57: {  	_ =	shalt  }
0x58: {  	_ =	shalt  }
0x59: {  	_ =	shalt  }
0x5a: {  	_ =	shalt  }
0x5b: {  	_ =	shalt  }
0x5c: {  	_ =	shalt  }
0x5d: {  	_ =	shalt  }
0x5e: {  	_ =	shalt  }
0x5f: {  	_ =	shalt  }
0x60: {  	_ =	shalt  }
0x61: {  	_ =	shalt  }
0x62: {  	_ =	shalt  }
0x63: {  	_ =	shalt  }
0x64: {  	_ =	shalt  }
0x65: {  	_ =	shalt  }
0x66: {  	_ =	shalt  }
0x67: {  	_ =	shalt  }
0x68: {  	_ =	shalt  }
0x69: {  	_ =	shalt  }
0x6a: {  	_ =	shalt  }
0x6b: {  	_ =	shalt  }
0x6c: {  	_ =	shalt  }
0x6d: {  	_ =	shalt  }
0x6e: {  	_ =	shalt  }
0x6f: {  	_ =	shalt  }
0x70: {  	_ =	shalt  }
0x71: {  	_ =	shalt  }
0x72: {  	_ =	shalt  }
0x73: {  	_ =	shalt  }
0x74: {  	_ =	shalt  }
0x75: {  	_ =	shalt  }
0x76: {  	_ =	shalt  }
0x77: {  	_ =	shalt  }
0x78: {  	_ =	shalt  }
0x79: {  	_ =	shalt  }
0x7a: {  	_ =	shalt  }
0x7b: {  	_ =	shalt  }
0x7c: {  	_ =	shalt  }
0x7d: {  	_ =	shalt  }
0x7e: {  	_ =	shalt  }
0x7f: {  	_ =	shalt  }
0x80: {  	_ =	shalt  }
0x81: {  	_ =	shalt  }
0x82: {  	_ =	shalt  }
0x83: {  	_ =	shalt  }
0x84: {  	_ =	shalt  }
0x85: {  	_ =	shalt  }
0x86: {  	_ =	shalt  }
0x87: {  	_ =	shalt  }
.Lfunc_end0:
.L_simem_size_0:
called_computation_lowered:
.L_overlay_start_0:
0x88: {  	s2 =	sld [smem:$0x3FD9]  }
0x89: {  	s3 =	sld [smem:$0x3FFE];
	_ =	sdelay $0x1  }
0x8a: {  	s1 =	srdreg.scid  }
0x8b: {  	s0 =	sand.u32 $0x1, s1  }
0x8c: {  	s14 =	sshll.u32 s0, $0xA;
	s2 =	sadd.s32 s3, s2  }
0x8d: {  	s2 =	sadd.s32 s2, s14  }
0x8e: {  	[smem:$0x3FC6] =	sst s2  }
0x8f: {  	_ = 	snop  }
0x90: {  	s2 =	sld [smem:$0x3FD0];
	_ =	sdelay $0x2  }
0x91: {  	s4 =	simm.s32 $0xA;
	s5 =	simm.s32 $0x10;
	s15 =	sld [smem:$0x3FC9]  }
0x92: {  	[smem:s5], [sflag:s4] =	dma.local [hbm:s2], $0x1  }
0x93: {  	_ =	swait.eq [sflag:s4], $0x1  }
0x94: {  	[sflag:s4] =	ssyncset.done $0x0  }
0x95: {  	[sflag:s4] =	ssyncadd.s32 $0xFFFFFFFF  }
0x96: {  	s16 =	sld [smem:$0x10];
	(tm) =	ssettm $0x1  }
0x97: {  	s17 =	sld [smem:$0x3FFB];
	_ =	sdelay $0x3  }
0x98: {  	_ =	strace s17  }
0x99: {  	s4 =	sld [smem:$0x3FFC];
	_ =	sdelay $0x3  }
0x9a: {  	_ =	strace s4  }
0x9b: {  	s4 =	sld [smem:$0x3FFD];
	_ =	sdelay $0x3  }
0x9c: {  	_ =	strace s4  }
0x9d: {  	_ =	strace $0x8FFFFFFF  }
0x9e: {  	s18 =	sld [smem:$0x3FDB];
	_ =	sdelay $0x1  }
0x9f: {  	s19 =	simm.s32 $_scs_section_size  }
0xa0: {  	s6 =	simm.s32 $_size__tile_overlayer_lowered;
	s7 =	simm.s32 $_tile_overlayer_lowered  }
0xa1: {  	s22 =	simm.s32 $0x1BFF;
	s21 =	sshll.u32 s7, $0x1;
	s4 =	sadd.s32 s19, s18  }
0xa2: {  	s8 =	simm.s32 $0x0;
	s20 =	sshll.u32 s6, $0x1;
	s6 =	sadd.s32 s21, s4  }
0xa3: {  	[timem:s8], [sflag:s22] =	dma.local [hbm:s6], s20  }
0xa4: {  	_ =	swait.ge [sflag:s22], s20  }
0xa5: {  	s5 =	ssub.s32 $0x0, s20;
	[sflag:s22] =	ssyncset.done $0x0  }
0xa6: {  	[sflag:s22] =	ssyncadd.s32 s5;
	_ =	sdelay $0x1  }
0xa7: {  	s23 =	simm.s32 $0x1B8B  }
0xa8: {  	_ =	swait.ge [sflag:s23], $0x1  }
0xa9: {  	[sflag:s23] =	ssyncset.done $0x0  }
0xaa: {  	s25 =	simm.s32 $0x1B8E;
	s24 =	sld [smem:$0x3FFE];
	[sflag:s23] =	ssyncadd.s32 $0xFFFFFFFF  }
0xab: {  	s26 =	simm.s32 $execute0_lowered;
	[smem:$0x3FD2] =	sst s25  }
0xac: {  	s6 =	sshll.u32 s26, $0x1;
	_ =	strace $0x80000046;
	[dreg:$0x1] =	wrdreg $0xFFFFFFFF  }
0xad: {  	s28 =	simm.s32 $_size_execute0_lowered;
	s4 =	sadd.s32 s4, s6;
	[dreg:$0x0] =	wrdreg $0x0  }
0xae: {  	s6 =	sshll.u32 s28, $0x1;
	[dreg:$0x2] =	wrdreg s4  }
0xaf: {  	[dreg:$0x3] =	wrdreg s6  }
0xb0: {  	[dreg:$0x4] =	wrdreg $0xC0  }
0xb1: {  	_ =	task [dreg:s8], $0x5FFFF  }
0xb2: {  	[dreg:$0x1] =	wrdreg $0xFFFFFFFF  }
0xb3: {  	[dreg:$0x0] =	wrdreg $0x60  }
0xb4: {  	[dreg:$0x2] =	wrdreg s15  }
0xb5: {  	[dreg:$0x3] =	wrdreg s24  }
0xb6: {  	[dreg:$0x4] =	wrdreg s16  }
0xb7: {  	[dreg:$0x5] =	wrdreg $0x9  }
0xb8: {  	_ =	task.clear_ibuf [dreg:s8], $0x6FFFF;
	_ =	strace $0x90000046  }
0xb9: {  	s29 =	simm.s32 $0x9;
	_ =	strace $0x80000048  }
0xba: {  	_ =	swait.ge [sflag:s29], $0x1  }
0xbb: {  	[sflag:s29] =	ssyncadd.s32 $0xFFFFFFFF  }
0xbc: {  	_ =	strace $0x90000048  }
0xbd: {  	_ =	sfence  }
0xbe: {  	s30 =	sld [smem:$0x0];
	_ =	sdelay $0x2  }
0xbf: {  	s31 =	sshll.u32 s1, $0xD;
	s1 =	sshrl.u32 s1, $0x2  }
0xc0: {  	s3 =	sand.u32 $0x4000, s31;
	s1 =	sadd.s32 s1, s30  }
0xc1: {  	s0 =	sor.u32 s3, s0;
	s1 =	sshll.u32 s1, $0x11  }
0xc2: {  	s0 =	sor.u32 s1, s0  }
0xc3: {  	s0 =	sadd.s32 $0x8F2B, s0  }
0xc4: {  	[sflag:s0] =	ssyncadd.remote.s32 $0x1  }
0xc5: {  	_ =	sfence.sel $0xFFFF  }
0xc6: {  	[dreg:$0x0] =	wrdreg $0xFFFFFFFF;
	(pc) =	sbr.abs _section_cstart, $3  }
0xc7: {  	[dreg:$0x1] =	wrdreg $0xFFFFFFFF  }
0xc8: {  	_ =	task.clear_ibuf [dreg:s8], $0x2FFFF;
	_ =	strace $0x9FFFFFFF  }
0xc9: {  	(tm) =	ssettm $0x7FFFFFFF  }
tec
execute0_lowered:
.L_overlay_start_1:
0x0: {  	(tag) =	ssettag $0x1  }
0x1: {  	s1 =	rddreg [dreg:$0x0]  }
0x2: {  	s2 =	srdreg.scid;
	s4 =	rddreg [dreg:$0x1]  }
0x3: {  	s0 =	stileid.u32;
	s7 =	rddreg [dreg:$0x2];
	s3 =	simm.s32 $0x0  }
0x4: {  	s10 =	simm.s32 $0x18300;
	s5 =	sand.u32 $0x1, s2;
	s30 =	sshll.u32 s0, $0x1  }
0x5: {  	s11 =	simm.s32 $0x11300;
	s2 =	rddreg [dreg:$0x3];
	s13 =	sor.u32 s5, s30  }
0x6: {  	s12 =	simm.s32 $0xA300;
	[smem:$0x7FF] =	sst s3;
	s6 =	smul.u32 $0x28, s13  }
.Ltmp0:
0x7: {  	s5 =	ssub.s32 $0x2, s5;
	_ =	strace $0x80000047;
	(pc) =	sbr.rel .LBB2_1-.Ltmp0, $4  }
0x8: {  	s8 =	smul.u32 $0x1400, s13;
	s31 =	sshrl.u32 s5, $0x1;
	p0 =	seq.s32 s13, $0x1F  }
0x9: {  	s13 =	simm.s32 $0x0;
	s9 =	ssub.s32 s5, s31;
	s6 =	sadd.s32 s6, s4  }
0xa: {  	s5 =	sadd.s32 s7, s8;
	s7 =	sadd.s32 $0x26C00, s7;
	s8 =	smax.u32 s9, $0x1  }
0xb: {  	v0 =	vimm.f32 $0.0e+00;
	v1 =	vimm.s32 $0x0;
	s9 =	simm.s32 $0x4;
	s4 =	sadd.s32 $0x800, s6;
	s6 =	sadd.s32 $0xE00, s6  }
.LBB2_7:
0xc: {  	s14 =	simm.s32 @p0 $0x0;
	s15 =	simm.s32 @p0 $0x180  }
0xd: {  	[hbm4b:s7+s14] =	stream.linear.scatter @p0 [tilespmem:s15], [sflag:$0x4], $0x2800, $0x38;
	[tilespmem:$0x1F300] =	vst v63  }
0xe: {  	s15 =	simm.s32 @p0 $0x4  }
0xf: {  	_ =	swait.ge @p0 [sflag:s15], $0x2800  }
0x10: {  	[sflag:s15] =	ssyncset.done @p0 $0x0  }
0x11: {  	s16 =	simm.s32 @p0 $0xA180;
	[sflag:s15] =	ssyncadd.s32 @p0 $0xFFFFD800  }
0x12: {  	[hbm4b:s6+s14] =	stream.linear.scatter @p0 [tilespmem:s16], [sflag:$0x4], $0x50, $0x38;
	[tilespmem:$0x1F300] =	vst v63  }
0x13: {  	_ =	swait.ge @p0 [sflag:s15], $0x50  }
0x14: {  	[sflag:s15] =	ssyncset.done @p0 $0x0  }
0x15: {  	s14 =	simm.s32 @!p0 $0x0;
	[sflag:s15] =	ssyncadd.s32 @p0 $0xFFFFFFB0;
	s15 =	simm.s32 @!p0 $0x180  }
0x16: {  	[hbm4b:s5+s14] =	stream.linear.scatter @!p0 [tilespmem:s15], [sflag:$0x4], $0xA000, $0x38;
	[tilespmem:$0x1F300] =	vst v63  }
0x17: {  	s15 =	simm.s32 @!p0 $0x4  }
0x18: {  	s13 =	sadd.s32 $0x1, s13;
	_ =	swait.ge @!p0 [sflag:s15], $0xA000  }
0x19: {  	p1 =	sne.s32 s13, s8;
	[sflag:s15] =	ssyncset.done @!p0 $0x0  }
.Ltmp1:
0x1a: {  	s16 =	simm.s32 @!p0 $0xA180;
	[sflag:s15] =	ssyncadd.s32 @!p0 $0xFFFF6000;
	(pc) =	sbr.rel @!p1 .LBB2_8-.Ltmp1, $4  }
0x1b: {  	[hbm4b:s6+s14] =	stream.linear.scatter @!p0 [tilespmem:s16], [sflag:$0x4], $0x140, $0x38;
	[tilespmem:$0x1F300] =	vst v63  }
0x1c: {  	_ =	swait.ge @!p0 [sflag:s15], $0x140  }
0x1d: {  	[sflag:s15] =	ssyncset.done @!p0 $0x0  }
0x1e: {  	[sflag:s15] =	ssyncadd.s32 @!p0 $0xFFFFFEC0  }
.LBB2_1:
0x1f: {  	[tilespmem:s3], [sflag:$0x4] =	stream.linear.gather [hbm4b:s4+s3], $0x158, $0x38;
	[tilespmem:$0x1F300] =	vst v63  }
0x20: {  	_ =	swait.ge [sflag:s9], $0x158  }
0x21: {  	[sflag:s9] =	ssyncset.done $0x0  }
0x22: {  	[sflag:s9] =	ssyncadd.s32 $0xFFFFFEA8  }
0x23: {  	v2 =	vld [tilespmem:$0x0];
	_ =	sdelay $0x4  }
0x24: {  	(v2sf) =	vpush v2, $0x0;
	_ =	sdelay $0x1  }
0x25: {  	v2 =	vld [tilespmem:$0x140];
	_ =	sdelay $0x4  }
0x26: {  	(v2sf) =	vpush v2, $0x0;
	_ =	sdelay $0x7  }
0x27: {  	s14 =	spop (v2sf)  }
0x28: {  	s15 =	sand.u32 $0x7, s14  }
0x29: {  	s16 =	sshra.s32 s14, $0x1F;
	p1 =	slt.s32 s14, $0x1;
	p2 =	sne.s32 s15, $0x0  }
0x2a: {  	s29 =	sshrl.u32 s16, $0x1D;
	p1 =	por !p1, !p2  }
0x2b: {  	s16 =	simm.s32 $0x1;
	s15 =	sadd.s32 s29, s14;
	p1 =	por !p1, !p1  }
0x2c: {  	s15 =	sshrl.u32 s15, $0x3;
	s16 =	simm.s32 @!p1 $0x0  }
0x2d: {  	s15 =	ssub.s32 s15, s16  }
0x2e: {  	s30 =	spop (v2sf);
	s15 =	sshll.u32 s15, $0x3  }
0x2f: {  	s17 =	ssub.s32 s30, s15  }
0x30: {  	s18 =	sadd.s32 $0xDF, s17  }
0x31: {  	s19 =	smulhi.u32 $0x92492493, s18;
	s20 =	sshra.s32 s18, $0x1F  }
0x32: {  	s20 =	smul.u32 $0x92492493, s20  }
0x33: {  	s17 =	ssub.s32 s19, s17  }
0x34: {  	s17 =	sadd.s32 s20, s17  }
0x35: {  	s17 =	sadd.s32 s18, s17  }
0x36: {  	s17 =	sadd.s32 $0xFFFFFF21, s17  }
0x37: {  	s31 =	sshrl.u32 s17, $0x1F;
	s17 =	sshra.s32 s17, $0x7  }
0x38: {  	p1 =	sgt.s32 s30, s14;
	s16 =	sadd.s32 s31, s17  }
0x39: {  	s16 =	simm.s32 @!p1 $0x0  }
0x3a: {  	p1 =	slt.s32 s16, $0x1  }
0x3b: {  	p2 =	slt.s32 @!p1 s15, $0x4E120  }
0x3c: {  	s17 =	smov.u32 s15;
	p2 =	por !p2, p1  }
0x3d: {  	s17 =	simm.s32 @p2 $0x4E120  }
0x3e: {  	s17 =	sshll.u32 @!p1 s17, $0x4  }
0x3f: {  	s18 =	simm.s32 @!p1 $0x0;
	p2 =	seq.s32 @!p1 s16, $0x1;
	s17 =	sand.u32 @!p1 $0x1FFFFF80, s17  }
0x40: {  	s19 =	simm.s32 @!p1 $0xA300;
	p3 =	por p2, p1;
	s17 =	sadd.s32 @!p1 s1, s17  }
0x41: {  	[tilespmem:s19], [sflag:$0x1] =	stream.linear.gather @!p1 [hbm4b:s17+s18], $0x7000, $0x38;
	[tilespmem:$0x1F300] =	vst v63  }
0x42: {  	s17 =	sadd.s32 @!p3 $0xE0, s15  }
0x43: {  	p4 =	slt.s32 @!p3 s17, $0x4E120  }
0x44: {  	p2 =	por @!p1 !p4, p2  }
0x45: {  	p1 =	por !p2, p1  }
0x46: {  	s17 =	simm.s32 @!p1 $0x4E120  }
0x47: {  	s17 =	sshll.u32 @!p3 s17, $0x4  }
0x48: {  	s17 =	sand.u32 @!p3 $0x1FFFFF80, s17  }
0x49: {  	s18 =	simm.s32 @!p3 $0x0;
	s19 =	simm.s32 @!p3 $0x11300;
	s17 =	sadd.s32 @!p3 s1, s17  }
0x4a: {  	[tilespmem:s19], [sflag:$0x2] =	stream.linear.gather @!p3 [hbm4b:s17+s18], $0x7000, $0x38;
	[tilespmem:$0x1F300] =	vst v63  }
0x4b: {  	s17 =	simm.s32 $0x0;
	s18 =	simm.s32 $0x200  }
.LBB2_2:
0x4c: {  	p1 =	sne.s32 s18, $0x27E00;
	[tilespmem:s17+$0x1F0] =	vst v0  }
0x4d: {  	[tilespmem:s17+$0x180] =	vst v0  }
0x4e: {  	[tilespmem:s17+$0x190] =	vst v0  }
.Ltmp2:
0x4f: {  	[tilespmem:s17+$0x1A0] =	vst v0;
	(pc) =	sbr.rel @p1 .LBB2_2-.Ltmp2, $4  }
0x50: {  	[tilespmem:s17+$0x1B0] =	vst v0  }
0x51: {  	[tilespmem:s17+$0x1C0] =	vst v0  }
0x52: {  	[tilespmem:s17+$0x1D0] =	vst v0  }
0x53: {  	[tilespmem:s17+$0x1E0] =	vst v0;
	s17 =	sshra.s32 s18, $0x2;
	s18 =	sadd.s32 $0x200, s18  }
0x54: {  	[tilespmem:s17+$0x1F0] =	vst v0  }
0x55: {  	[tilespmem:s17+$0x180] =	vst v0  }
0x56: {  	[tilespmem:s17+$0x190] =	vst v0  }
0x57: {  	[tilespmem:s17+$0x1A0] =	vst v0  }
0x58: {  	[tilespmem:s17+$0x1B0] =	vst v0  }
0x59: {  	[tilespmem:s17+$0x1C0] =	vst v0  }
0x5a: {  	[tilespmem:s17+$0x1D0] =	vst v0  }
0x5b: {  	[tilespmem:s17+$0x1E0] =	vst v0  }
0x5c: {  	v2 =	vld [tilespmem:$0x0]  }
0x5d: {  	v3 =	vld [tilespmem:$0x1]  }
0x5e: {  	v4 =	vld [tilespmem:$0x10]  }
0x5f: {  	v5 =	vld [tilespmem:$0x11]  }
0x60: {  	v6 =	vld [tilespmem:$0x20]  }
0x61: {  	v7 =	vld [tilespmem:$0x21]  }
0x62: {  	v8 =	vld [tilespmem:$0x30]  }
0x63: {  	v9 =	vld [tilespmem:$0x31]  }
0x64: {  	v10 =	vld [tilespmem:$0x40]  }
0x65: {  	v11 =	vld [tilespmem:$0x41]  }
0x66: {  	v12 =	vld [tilespmem:$0x50]  }
0x67: {  	v13 =	vld [tilespmem:$0x51]  }
0x68: {  	v14 =	vld [tilespmem:$0x60]  }
0x69: {  	v15 =	vld [tilespmem:$0x61]  }
0x6a: {  	v16 =	vld [tilespmem:$0x70]  }
0x6b: {  	v17 =	vld [tilespmem:$0x71]  }
0x6c: {  	v18 =	vld [tilespmem:$0x80]  }
0x6d: {  	v19 =	vld [tilespmem:$0x81]  }
0x6e: {  	v20 =	vld [tilespmem:$0x90]  }
0x6f: {  	v21 =	vld [tilespmem:$0x91]  }
0x70: {  	v22 =	vld [tilespmem:$0xA0]  }
0x71: {  	v23 =	vld [tilespmem:$0xA1]  }
0x72: {  	v24 =	vld [tilespmem:$0xB0]  }
0x73: {  	v25 =	vld [tilespmem:$0xB1]  }
0x74: {  	v26 =	vld [tilespmem:$0xC0]  }
0x75: {  	v40 =	vld [tilespmem:$0xD0];
	vm0 =	vgt.s32 v3, v2  }
0x76: {  	v43 =	vld [tilespmem:$0xE1];
	vm10 =	vgt.s32 v7, v6;
	v3 =	vsel vm0, $0x1, v1  }
0x77: {  	v45 =	vld [tilespmem:$0xF0];
	vm11 =	vgt.s32 v9, v8;
	v6 =	vsel vm10, $0x1, v1;
	[tilespmem:$0xA180] =	vst v3  }
0x78: {  	v47 =	vld [tilespmem:$0xF1];
	vm12 =	vgt.s32 v11, v10;
	v42 =	vsel vm11, $0x1, v1;
	[tilespmem:$0xA1A0] =	vst v6  }
0x79: {  	v49 =	vld [tilespmem:$0x100];
	vm13 =	vgt.s32 v13, v12;
	v44 =	vsel vm12, $0x1, v1;
	[tilespmem:$0xA1B0] =	vst v42  }
0x7a: {  	v51 =	vld [tilespmem:$0x101];
	vm14 =	vgt.s32 v15, v14;
	v46 =	vsel vm13, $0x1, v1;
	[tilespmem:$0xA1C0] =	vst v44  }
0x7b: {  	v53 =	vld [tilespmem:$0x110];
	vm15 =	vgt.s32 v17, v16;
	v48 =	vsel vm14, $0x1, v1;
	[tilespmem:$0xA1D0] =	vst v46  }
0x7c: {  	v55 =	vld [tilespmem:$0x111];
	vm9 =	vgt.s32 v5, v4;
	v50 =	vsel vm15, $0x1, v1;
	[tilespmem:$0xA1E0] =	vst v48  }
0x7d: {  	v2 =	vld [tilespmem:$0xC1];
	vm4 =	vgt.s32 v19, v18;
	v3 =	vsel vm9, $0x1, v1;
	[tilespmem:$0xA1F0] =	vst v50  }
0x7e: {  	vm5 =	vgt.s32 v21, v20;
	v52 =	vsel vm4, $0x1, v1;
	[tilespmem:$0xA190] =	vst v3;
	v3 =	vld [tilespmem:$0xE0]  }
0x7f: {  	v41 =	vld [tilespmem:$0xD1];
	vm6 =	vgt.s32 v23, v22;
	v54 =	vsel vm5, $0x1, v1;
	[tilespmem:$0xA200] =	vst v52  }
0x80: {  	v57 =	vld [tilespmem:$0x120];
	vm7 =	vgt.s32 v25, v24;
	v56 =	vsel vm6, $0x1, v1;
	[tilespmem:$0xA210] =	vst v54  }
0x81: {  	v60 =	vld [tilespmem:$0x130];
	v58 =	vsel vm7, $0x1, v1;
	vm11 =	vgt.s32 v47, v45;
	[tilespmem:$0xA220] =	vst v56  }
0x82: {  	vm12 =	vgt.s32 v51, v49;
	[tilespmem:$0xA230] =	vst v58;
	v61 =	vsel vm11, $0x1, v1;
	vm8 =	vgt.s32 v2, v26;
	v2 =	vld [tilespmem:$0x121]  }
0x83: {  	vm13 =	vgt.s32 v55, v53;
	v62 =	vsel vm12, $0x1, v1;
	[tilespmem:$0xA270] =	vst v61;
	vm10 =	vgt.s32 v43, v3;
	v3 =	vld [tilespmem:$0x131]  }
0x84: {  	vm9 =	vgt.s32 v41, v40;
	v63 =	vsel vm13, $0x1, v1;
	[tilespmem:$0xA280] =	vst v62  }
0x85: {  	v5 =	vsel vm9, $0x1, v1;
	[tilespmem:$0xA290] =	vst v63  }
.Ltmp3:
0x86: {  	[tilespmem:$0xA250] =	vst v5;
	v59 =	vsel vm8, $0x1, v1;
	(pc) =	sbr.rel .LBB2_4-.Ltmp3, $4  }
0x87: {  	[tilespmem:$0xA240] =	vst v59;
	v7 =	vsel vm10, $0x1, v1;
	vm14 =	vgt.s32 v2, v57  }
0x88: {  	[tilespmem:$0xA260] =	vst v7;
	v2 =	vsel vm14, $0x1, v1;
	vm15 =	vgt.s32 v3, v60  }
0x89: {  	[tilespmem:$0xA2A0] =	vst v2;
	v2 =	vsel vm15, $0x1, v1  }
0x8a: {  	s17 =	sxor.u32 $0xFFFFFFFF, s15;
	s19 =	simm.s32 $0x0;
	s18 =	simm.s32 $0xFFFFFFFF;
	[tilespmem:$0xA2B0] =	vst v2  }
.LBB2_5:
0x8b: {  	v9 =	vimm.f32 $-Inf  }
0x8c: {  	v7 =	vimm.f32 $-Inf;
	v6 =	vimm.f32 $-Inf;
	v5 =	vimm.f32 $-Inf  }
0x8d: {  	v4 =	vimm.f32 $-Inf;
	v3 =	vimm.f32 $-Inf;
	v2 =	vimm.f32 $-Inf  }
.LBB2_6:
0x8e: {  	p1 =	sle.s32 s20, s14  }
0x8f: {  	s14 =	sshll.u32 @!p1 s19, $0x7  }
0x90: {  	s14 =	sand.u32 @!p1 $0x3FFFFF80, s14  }
0x91: {  	[tilespmem:s14+$0x180] =	vst @!p1 v8  }
0x92: {  	s19 =	sadd.s32 $0x1, s19;
	[tilespmem:s14+$0x190] =	vst @!p1 v9  }
0x93: {  	p2 =	sne.s32 s19, $0x140;
	[tilespmem:s14+$0x1A0] =	vst @!p1 v7  }
.Ltmp4:
0x94: {  	[tilespmem:s14+$0x1B0] =	vst @!p1 v6;
	(pc) =	sbr.rel @!p2 .LBB2_7-.Ltmp4, $4  }
0x95: {  	[tilespmem:s14+$0x1C0] =	vst @!p1 v5  }
0x96: {  	[tilespmem:s14+$0x1D0] =	vst @!p1 v4  }
0x97: {  	[tilespmem:s14+$0x1E0] =	vst @!p1 v3  }
0x98: {  	[tilespmem:s14+$0x1F0] =	vst @!p1 v2;
	s14 =	smov.u32 s20  }
.LBB2_4:
0x99: {  	v2 =	vld [tilespmem:s19+$0x1];
	_ =	sdelay $0x4  }
0x9a: {  	(v2sf) =	vpush v2, $0x0;
	_ =	sdelay $0xd  }
0x9b: {  	s21 =	ssub.s32 s14, s15  }
0x9c: {  	s22 =	smulhi.u32 $0x92492493, s21;
	s23 =	sshra.s32 s21, $0x1F;
	s20 =	spop (v2sf)  }
0x9d: {  	s23 =	smul.u32 $0x92492493, s23;
	s24 =	sadd.s32 s17, s20  }
0x9e: {  	s25 =	smulhi.u32 $0x92492493, s24;
	s26 =	sshra.s32 s24, $0x1F  }
0x9f: {  	s22 =	ssub.s32 s22, s21;
	s26 =	smul.u32 $0x92492493, s26  }
0xa0: {  	s22 =	sadd.s32 s23, s22;
	s29 =	ssub.s32 s25, s24  }
0xa1: {  	s21 =	sadd.s32 s21, s22;
	s30 =	sadd.s32 s26, s29  }
0xa2: {  	s31 =	sshrl.u32 s21, $0x1F;
	s22 =	sadd.s32 s24, s30  }
0xa3: {  	s21 =	sshra.s32 s21, $0x7;
	s24 =	sshrl.u32 s22, $0x1F;
	s22 =	sshra.s32 s22, $0x7  }
0xa4: {  	s21 =	sadd.s32 s31, s21;
	s22 =	sadd.s32 s24, s22  }
0xa5: {  	p1 =	sgt.s32 s20, s14;
	s23 =	sadd.s32 $0x1, s22;
	s22 =	smov.u32 s21  }
0xa6: {  	s22 =	smov.u32 @p1 s23  }
0xa7: {  	p1 =	sge.s32 s21, s22  }
.Ltmp5:
0xa8: {  	_ = 	snop;
	(pc) =	sbr.rel @p1 .LBB2_5-.Ltmp5, $2  }
0xa9: {  	_ =	sdelay $0x2  }
0xaa: {  	v8 =	vimm.f32 $-Inf  }
.Ltmp6:
0xab: {  	(pc) =	sbr.rel .LBB2_11-.Ltmp6, $4  }
0xac: {  	_ = 	snop  }
0xad: {  	s23 =	smul.u32 $0xE0, s21;
	v2 =	vimm.f32 $-Inf;
	v3 =	vimm.f32 $-Inf  }
0xae: {  	v4 =	vimm.f32 $-Inf;
	v5 =	vimm.f32 $-Inf;
	v6 =	vimm.f32 $-Inf  }
0xaf: {  	v7 =	vimm.f32 $-Inf;
	v9 =	vimm.f32 $-Inf;
	v8 =	vimm.f32 $-Inf;
	s23 =	sadd.s32 s23, s15  }
.LBB2_19:
0xb0: {  	v6 =	vmax.f32 v6, v11;
	v5 =	vmax.f32 v5, v10  }
0xb1: {  	v4 =	vmax.f32 v4, v12;
	v3 =	vmax.f32 v3, v13;
	v8 =	vmax.f32 v8, v14  }
.LBB2_10:
0xb2: {  	p1 =	sgt.s32 s21, s18  }
0xb3: {  	s18 =	smov.u32 @p1 s21;
	s21 =	sadd.s32 $0x1, s21  }
0xb4: {  	p1 =	seq.s32 s21, s22  }
.Ltmp7:
0xb5: {  	_ = 	snop;
	(pc) =	sbr.rel @p1 .LBB2_6-.Ltmp7, $2  }
0xb6: {  	_ =	sdelay $0x2  }
0xb7: {  	s23 =	sadd.s32 $0xE0, s23  }
.LBB2_11:
0xb8: {  	p1 =	sle.s32 s21, s18  }
.Ltmp8:
0xb9: {  	_ = 	snop;
	(pc) =	sbr.rel @p1 .LBB2_16-.Ltmp8, $1  }
0xba: {  	_ =	sdelay $0x3  }
0xbb: {  	s24 =	smulhi.u32 $0xAAAAAAAB, s21;
	_ =	sdelay $0x1  }
0xbc: {  	s24 =	sshrl.u32 s24, $0x1  }
0xbd: {  	s24 =	smul.u32 $0x3, s24;
	_ =	sdelay $0x1  }
0xbe: {  	s24 =	ssub.s32 s21, s24  }
0xbf: {  	p1 =	seq.s32 s24, $0x0  }
0xc0: {  	p2 =	seq.s32 @!p1 s24, $0x2  }
0xc1: {  	p2 =	por !p2, p1  }
0xc2: {  	s25 =	simm.s32 @!p2 $0x3  }
0xc3: {  	s24 =	sadd.s32 $0x2, s21;
	s25 =	simm.s32 @p2 $0x2  }
0xc4: {  	s25 =	simm.s32 @p1 $0x1;
	p1 =	sge.s32 s24, s16  }
.Ltmp9:
0xc5: {  	_ = 	snop;
	(pc) =	sbr.rel @p1 .LBB2_16-.Ltmp9, $4  }
0xc6: {  	_ = 	snop  }
0xc7: {  	_ =	swait.ge [sflag:s25], $0x7000  }
0xc8: {  	[sflag:s25] =	ssyncset.done $0x0  }
0xc9: {  	[sflag:s25] =	ssyncadd.s32 $0xFFFF9000  }
0xca: {  	s25 =	smulhi.u32 $0xAAAAAAAB, s24;
	_ =	sdelay $0x1  }
0xcb: {  	s26 =	smul.u32 $0xE0, s24;
	s25 =	sshrl.u32 s25, $0x1  }
0xcc: {  	s25 =	smul.u32 $0x3, s25  }
0xcd: {  	s26 =	sadd.s32 s15, s26  }
0xce: {  	p1 =	slt.s32 s26, $0x4E120;
	s25 =	ssub.s32 s24, s25  }
0xcf: {  	s26 =	simm.s32 @!p1 $0x4E120;
	p1 =	seq.s32 s25, $0x2  }
.Ltmp10:
0xd0: {  	_ = 	snop;
	(pc) =	sbr.rel @p1 .LBB2_15-.Ltmp10, $4  }
0xd1: {  	_ = 	snop  }
0xd2: {  	s31 =	sshll.u32 s26, $0x4  }
0xd3: {  	s24 =	sand.u32 $0x1FFFFF80, s31  }
0xd4: {  	s24 =	sadd.s32 s1, s24  }
.Ltmp11:
0xd5: {  	(pc) =	sbr.rel .LBB2_16-.Ltmp11, $4  }
0xd6: {  	p1 =	seq.s32 s25, $0x1  }
0xd7: {  	[tilespmem:s11], [sflag:$0x2] =	stream.linear.gather @p1 [hbm4b:s24+s3], $0x7000, $0x38;
	[tilespmem:$0x1F300] =	vst v63  }
0xd8: {  	_ = 	snop  }
0xd9: {  	[tilespmem:s12], [sflag:$0x1] =	stream.linear.gather @!p1 [hbm4b:s24+s3], $0x7000, $0x38;
	[tilespmem:$0x1F300] =	vst v63  }
.LBB2_15:
0xda: {  	[tilespmem:s10], [sflag:$0x3] =	stream.linear.gather [hbm4b:s24+s3], $0x7000, $0x38;
	[tilespmem:$0x1F300] =	vst v63  }
.LBB2_16:
0xdb: {  	s24 =	smul.u32 $0xE0, s21;
	_ =	sdelay $0x1  }
0xdc: {  	s25 =	sadd.s32 s15, s24  }
0xdd: {  	s24 =	sadd.s32 $0xE0, s25  }
0xde: {  	p1 =	sgt.s32 s14, s25;
	p2 =	slt.s32 s20, s24  }
0xdf: {  	s25 =	smov.u32 @p1 s14;
	s24 =	smov.u32 @p2 s20  }
0xe0: {  	p1 =	sge.s32 s25, s24  }
.Ltmp12:
0xe1: {  	_ = 	snop;
	(pc) =	sbr.rel @p1 .LBB2_10-.Ltmp12, $1  }
0xe2: {  	_ =	sdelay $0x3  }
0xe3: {  	s26 =	smulhi.u32 $0x55555556, s21;
	s28 =	sshra.s32 s21, $0x1F  }
0xe4: {  	s28 =	smul.u32 $0x55555556, s28;
	_ =	sdelay $0x1  }
0xe5: {  	s26 =	sadd.s32 s28, s26  }
0xe6: {  	s28 =	sshrl.u32 s26, $0x1F  }
0xe7: {  	s26 =	sadd.s32 s28, s26  }
0xe8: {  	s26 =	smul.u32 $0x3, s26;
	_ =	sdelay $0x1  }
0xe9: {  	s26 =	ssub.s32 s21, s26  }
0xea: {  	p1 =	sgt.s32 s14, s23;
	s28 =	smov.u32 s23;
	s26 =	smul.u32 $0xE0, s26  }
0xeb: {  	s29 =	smov.u32 s23;
	s28 =	smov.u32 @p1 s14;
	p1 =	slt.s32 s23, $0x4E120  }
0xec: {  	s29 =	simm.s32 @!p1 $0x4E120;
	s26 =	sadd.s32 s26, s28  }
0xed: {  	s26 =	ssub.s32 s26, s29  }
0xee: {  	s26 =	sshll.u32 s26, $0x9  }
0xef: {  	s26 =	sshra.s32 s26, $0x2  }
0xf0: {  	s26 =	sadd.s32 $0xA340, s26  }
0xf1: {  	v14 =	vld [tilespmem:s26+$0x30]  }
0xf2: {  	v15 =	vld [tilespmem:s26+$0xFFFFFFD0]  }
0xf3: {  	v16 =	vld [tilespmem:s26+$0xFFFFFFE0]  }
0xf4: {  	v11 =	vld [tilespmem:s26+$0xFFFFFFF0]  }
0xf5: {  	s25 =	sadd.s32 $0x1, s25;
	v10 =	vld [tilespmem:s26+$0x0]  }
0xf6: {  	p1 =	slt.s32 s25, s24;
	v12 =	vld [tilespmem:s26+$0x10]  }
.Ltmp13:
0xf7: {  	v13 =	vld [tilespmem:s26+$0x20];
	(pc) =	sbr.rel @!p1 .LBB2_19-.Ltmp13, $2  }
0xf8: {  	v2 =	vmax.f32 v2, v14;
	v14 =	vld [tilespmem:s26+$0xFFFFFFC0];
	_ =	sdelay $0x2  }
0xf9: {  	v9 =	vmax.f32 v9, v15;
	v7 =	vmax.f32 v7, v16;
	s26 =	sadd.s32 $0x80, s26  }
.LBB2_18:
0xfa: {  	v15 =	vld [tilespmem:s26+$0x30];
	s25 =	sadd.s32 $0x1, s25;
	v6 =	vmax.f32 v6, v11  }
0xfb: {  	v5 =	vmax.f32 v5, v10;
	v16 =	vld [tilespmem:s26+$0xFFFFFFD0];
	p1 =	slt.s32 s25, s24  }
0xfc: {  	v4 =	vmax.f32 v4, v12;
	v17 =	vld [tilespmem:s26+$0xFFFFFFE0]  }
.Ltmp14:
0xfd: {  	v3 =	vmax.f32 v3, v13;
	v11 =	vld [tilespmem:s26+$0xFFFFFFF0];
	(pc) =	sbr.rel @p1 .LBB2_18-.Ltmp14, $4  }
0xfe: {  	v8 =	vmax.f32 v8, v14;
	v10 =	vld [tilespmem:s26+$0x0]  }
0xff: {  	v12 =	vld [tilespmem:s26+$0x10];
	v2 =	vmax.f32 v2, v15  }
0x100: {  	v9 =	vmax.f32 v9, v16;
	v13 =	vld [tilespmem:s26+$0x20]  }
0x101: {  	v14 =	vld [tilespmem:s26+$0xFFFFFFC0];
	v7 =	vmax.f32 v7, v17;
	s26 =	sadd.s32 $0x80, s26  }
.Ltmp15:
0x102: {  	_ = 	snop;
	(pc) =	sbr.rel .LBB2_19-.Ltmp15, $1  }
0x103: {  	_ =	sdelay $0x3  }
.LBB2_8:
0x104: {  	_ =	sfence.sel $0x180000  }
0x105: {  	[bflag:$0x0] =	sbarrier.arrive $0xFFFF  }
0x106: {  	p0 =	sne.s32 s0, $0x0;
	_ =	strace $0x90000047  }
0x107: {  	s0 =	sadd.s32 @!p0 $0x100000, s2;
	[bflag:$0x2] =	sbarrier.arrive $0xFFFF  }
0x108: {  	[sflag:s0] =	ssyncadd.tile.s32 @!p0 $0x1;
	_ =	shalt  }
.Lfunc_end2:
_tile_overlayer_lowered:
.L_overlay_start_2:
0x109: {  	(tag) =	ssettag $0x2  }
0x10a: {  	s0 =	rddreg [dreg:$0x0];
	s2 =	stileid.u32  }
0x10b: {  	s1 =	rddreg [dreg:$0x1];
	p0 =	sne.s32 s2, $0x0  }
0x10c: {  	s3 =	rddreg [dreg:$0x2];
	[bflag:$0x3] =	sbarrier.arrive $0xFFFF;
	s2 =	simm.s32 @!p0 $0x1C04  }
0x10d: {  	[timem:s3], [sflag:s2] =	dma.local @!p0 [hbm:s0], s1  }
0x10e: {  	s0 =	simm.s32 @!p0 $0x4  }
0x10f: {  	_ =	swait.ge @!p0 [sflag:s0], s1  }
0x110: {  	s1 =	ssub.s32 @!p0 $0x0, s1;
	[sflag:s0] =	ssyncset.done @!p0 $0x0  }
0x111: {  	[sflag:s0] =	ssyncadd.s32 @!p0 s1  }
0x112: {  	[bflag:$0x3] =	sbarrier.arrive $0xFFFF  }
0x113: {  	_ =	shalt  }

</sc_bundles>
